<compile_context>
chip_gen: v7x
topology: tpu7x:2x2x1
jax: 0.10.2.dev20260603
libtpu: 0.0.44.dev20260713+nightly
codegen_flags: <defaults>
</compile_context>

<pallas_src>
import functools

import jax
import jax.numpy as jnp
from jax import lax
from jax.experimental import pallas as pl
from jax.experimental.pallas import tpu as pltpu
from jax.experimental.pallas import tpu_sc as plsc

VOCAB = 1000000
EMBED_DIM = 64

NUM_CORES = 2
NUM_SUBCORES = 16
NUM_WORKERS = NUM_CORES * NUM_SUBCORES

IDX_MINOR = 128
K = 8
GROUP = K * IDX_MINOR


def _make_kernel(n_lookups):
    assert n_lookups % (NUM_WORKERS * GROUP) == 0
    rows_per_worker = n_lookups // (NUM_WORKERS * IDX_MINOR)
    groups = rows_per_worker // K

    mesh = plsc.VectorSubcoreMesh(
        core_axis_name="c", subcore_axis_name="s",
        num_cores=NUM_CORES, num_subcores=NUM_SUBCORES)

    halves = groups * 2
    HK = K // 2
    HALF = HK * IDX_MINOR

    @functools.partial(
        pl.kernel,
        out_type=jax.ShapeDtypeStruct((n_lookups, EMBED_DIM), jnp.float32),
        mesh=mesh,
        scratch_types=[
            pltpu.VMEM((2, K, IDX_MINOR), jnp.int32),
            pltpu.VMEM((3, HALF, EMBED_DIM), jnp.float32),
            pltpu.SemaphoreType.DMA((3,)),
            pltpu.SemaphoreType.DMA((3,)),
            pltpu.SemaphoreType.DMA((2,)),
        ],
        compiler_params=pltpu.CompilerParams(use_tc_tiling_on_sc=False),
    )
    def body(x_hbm, table_hbm, out_hbm, idx3, rows3, gsem, wsem, isem):
        wid = lax.axis_index("s") * NUM_CORES + lax.axis_index("c")
        row_base = wid * rows_per_worker

        def load_idx(g):
            pltpu.async_copy(x_hbm.at[pl.ds(row_base + g * K, K)],
                             idx3.at[g % 2], isem.at[g % 2])

        def wait_idx(g):
            pltpu.make_async_copy(x_hbm.at[pl.ds(0, K)], idx3.at[g % 2],
                                  isem.at[g % 2]).wait()

        def fire(h, slot):
            p = (h // 2) % 2
            r0 = (h % 2) * HK
            for j in range(HK):
                pltpu.async_copy(
                    table_hbm.at[idx3.at[p, r0 + j]],
                    rows3.at[slot, pl.ds(j * IDX_MINOR, IDX_MINOR)],
                    gsem.at[slot])

        load_idx(0)
        wait_idx(0)
        fire(0, 0)
        fire(1, 1)
        load_idx(1)

        def step(h, carry):
            cur = h % 3
            nxt = (h + 2) % 3

            for j in range(HK):
                pltpu.make_async_copy(
                    table_hbm.at[idx3.at[0, 0]],
                    rows3.at[cur, pl.ds(j * IDX_MINOR, IDX_MINOR)],
                    gsem.at[cur]).wait()

            @pl.when(h + 2 < halves)
            def _():
                @pl.when((h + 2) % 2 == 0)
                def _():
                    wait_idx((h + 2) // 2)

                @pl.when(h >= 1)
                def _():
                    pltpu.make_async_copy(
                        rows3.at[nxt], out_hbm.at[pl.ds(0, HALF)],
                        wsem.at[nxt]).wait()

                fire(h + 2, nxt)

                @pl.when(jnp.logical_and((h + 2) % 2 == 1,
                                         (h + 3) // 2 < groups))
                def _():
                    load_idx((h + 3) // 2)

            pltpu.async_copy(
                rows3.at[cur],
                out_hbm.at[pl.ds(row_base * IDX_MINOR + h * HALF, HALF)],
                wsem.at[cur])
            return carry

        lax.fori_loop(0, halves, step, 0)

        for slot in range(3):
            pltpu.make_async_copy(
                rows3.at[slot], out_hbm.at[pl.ds(0, HALF)],
                wsem.at[slot]).wait()

    return body


def kernel(x, table):
    b, s = x.shape
    n = b * s
    x_flat = x.reshape(n // IDX_MINOR, IDX_MINOR)
    out = _make_kernel(n)(x_flat, table)
    return out.reshape(b, s, EMBED_DIM)

# --- scband reference (transcript-rebuilt; emitter-appended) ---
"""Pipeline reference for scband-embeddings-1726576856744 (READ-ONLY COPY).

The authoritative reference and input builder live on the scoring server;
editing this copy changes nothing except your own understanding.
"""

import jax, jax.numpy as jnp
import numpy as np

VOCAB = 1000000
EMBED_DIM = 64
PADDING_IDX = 1

def setup_inputs(seed: int = 0) -> dict:
    key = jax.random.key(seed)
    k_idx, k_tab = jax.random.split(key)
    x = jax.random.randint(k_idx, (4096, 200), 0, VOCAB, dtype=jnp.int64 if jax.config.jax_enable_x64 else jnp.int32).astype(jnp.int32)
    table = jax.random.normal(k_tab, (VOCAB, EMBED_DIM), dtype=jnp.float32)
    # nn.Embedding with padding_idx zeroes that row at init
    table = table.at[PADDING_IDX].set(0.0)
    return {"x": x, "table": table}

def reference(x, table):
    # Embeddings.forward with norm_type=None, activation_type=None, scale=False:
    # pure embedding lookup
    return jnp.take(table, x, axis=0)

if __name__ == "__main__":
    import jax
    _d = setup_inputs()
    print(jax.jit(kernel)(*tuple(_d.values())))

</pallas_src>

<mosaic_0001>
#map = affine_map<(d0, d1) -> (0, 0)>
module attributes {stable_mosaic.version = 14 : i64} {
  func.func @body(%arg0: i32, %arg1: i32, %arg2: memref<6400x128xi32, #tpu.memory_space<hbm>>, %arg3: memref<1000000x64xf32, #tpu.memory_space<hbm>>, %arg4: memref<819200x64xf32, #tpu.memory_space<hbm>>, %arg5: memref<2x8x128xi32, #tpu.memory_space<vmem>>, %arg6: memref<3x512x64xf32, #tpu.memory_space<vmem>>, %arg7: memref<3x!tpu.dma_semaphore, #tpu.memory_space<semaphore_mem>>, %arg8: memref<3x!tpu.dma_semaphore, #tpu.memory_space<semaphore_mem>>, %arg9: memref<2x!tpu.dma_semaphore, #tpu.memory_space<semaphore_mem>>) attributes {dimension_semantics = [#tpu.dimension_semantics<core_parallel>, #tpu.dimension_semantics<subcore_parallel>], iteration_bounds = array<i64: 2, 16>, scalar_prefetch = 0 : i64, scratch_operands = 5 : i64, tpu.core_type = #tpu.core_type<sc_vector_subcore>, window_params = [{transform_indices = #map}, {transform_indices = #map}, {transform_indices = #map}]} {
    %mul3A = arith.constant 2 : i32
    %mul3A_0 = arith.muli %arg1, %mul3A : i32
    %add3A = arith.addi %mul3A_0, %arg0 : i32
    %mul3A_1 = arith.constant 200 : i32
    %mul3A_2 = arith.muli %add3A, %mul3A_1 : i32
    %add3A_3 = arith.constant 0 : i32
    %add3A_4 = arith.addi %mul3A_2, %add3A_3 : i32
    %dma_start3A = arith.constant 0 : i32
    %dma_start3A_5 = arith.constant 0 : i32
    %dma_start3A_6 = arith.constant 0 : i32
    %dma_start3A_7 = arith.constant 0 : i32
    %dma_start3A_8 = tpu.memref_slice %arg5[%dma_start3A, %dma_start3A_6, %dma_start3A_7] : memref<2x8x128xi32, #tpu.memory_space<vmem>> -> memref<1x8x128xi32, #tpu.memory_space<vmem>>
    %dma_start3A_9 = tpu.memref_squeeze %dma_start3A_8 : memref<1x8x128xi32, #tpu.memory_space<vmem>> -> memref<8x128xi32, #tpu.memory_space<vmem>>
    %dma_start3A_10 = arith.constant 0 : i32
    %dma_start3A_11 = tpu.memref_slice %arg2[%add3A_4, %dma_start3A_10] : memref<6400x128xi32, #tpu.memory_space<hbm>> -> memref<8x128xi32, #tpu.memory_space<hbm>>
    %dma_start3A_12 = tpu.memref_slice %arg9[%dma_start3A_5] : memref<2x!tpu.dma_semaphore, #tpu.memory_space<semaphore_mem>> -> memref<1x!tpu.dma_semaphore, #tpu.memory_space<semaphore_mem>>
    %dma_start3A_13 = tpu.memref_squeeze %dma_start3A_12 : memref<1x!tpu.dma_semaphore, #tpu.memory_space<semaphore_mem>> -> memref<!tpu.dma_semaphore, #tpu.memory_space<semaphore_mem>>
    %dma_start3A_14 = arith.constant 0 : i32
    %dma_start3A_15 = arith.constant 0 : i32
    %dma_start3A_16 = tpu.memref_slice %arg5[%dma_start3A, %dma_start3A_14, %dma_start3A_15] : memref<2x8x128xi32, #tpu.memory_space<vmem>> -> memref<1x8x128xi32, #tpu.memory_space<vmem>>
    %dma_start3A_17 = tpu.memref_squeeze %dma_start3A_16 : memref<1x8x128xi32, #tpu.memory_space<vmem>> -> memref<8x128xi32, #tpu.memory_space<vmem>>
    %dma_start3A_18 = arith.constant 0 : i32
    %dma_start3A_19 = tpu.memref_slice %arg2[%add3A_4, %dma_start3A_18] : memref<6400x128xi32, #tpu.memory_space<hbm>> -> memref<8x128xi32, #tpu.memory_space<hbm>>
    tpu.enqueue_dma source(%dma_start3A_19 : memref<8x128xi32, #tpu.memory_space<hbm>>) target(%dma_start3A_17 : memref<8x128xi32, #tpu.memory_space<vmem>>) target_semaphore(%dma_start3A_13 : memref<!tpu.dma_semaphore, #tpu.memory_space<semaphore_mem>>)
    %dma_wait3A = arith.constant 0 : i32
    %dma_wait3A_20 = arith.constant 0 : i32
    %dma_wait3A_21 = arith.constant 0 : i32
    %dma_wait3A_22 = arith.constant 0 : i32
    %dma_wait3A_23 = tpu.memref_slice %arg5[%dma_wait3A, %dma_wait3A_21, %dma_wait3A_22] : memref<2x8x128xi32, #tpu.memory_space<vmem>> -> memref<1x8x128xi32, #tpu.memory_space<vmem>>
    %dma_wait3A_24 = tpu.memref_squeeze %dma_wait3A_23 : memref<1x8x128xi32, #tpu.memory_space<vmem>> -> memref<8x128xi32, #tpu.memory_space<vmem>>
    %dma_wait3A_25 = arith.constant 0 : i32
    %dma_wait3A_26 = arith.constant 0 : i32
    %dma_wait3A_27 = tpu.memref_slice %arg2[%dma_wait3A_25, %dma_wait3A_26] : memref<6400x128xi32, #tpu.memory_space<hbm>> -> memref<8x128xi32, #tpu.memory_space<hbm>>
    %dma_wait3A_28 = tpu.memref_slice %arg9[%dma_wait3A_20] : memref<2x!tpu.dma_semaphore, #tpu.memory_space<semaphore_mem>> -> memref<1x!tpu.dma_semaphore, #tpu.memory_space<semaphore_mem>>
    %dma_wait3A_29 = tpu.memref_squeeze %dma_wait3A_28 : memref<1x!tpu.dma_semaphore, #tpu.memory_space<semaphore_mem>> -> memref<!tpu.dma_semaphore, #tpu.memory_space<semaphore_mem>>
    %dma_wait3A_30 = arith.constant 0 : i32
    %dma_wait3A_31 = arith.constant 0 : i32
    %dma_wait3A_32 = tpu.memref_slice %arg5[%dma_wait3A, %dma_wait3A_30, %dma_wait3A_31] : memref<2x8x128xi32, #tpu.memory_space<vmem>> -> memref<1x8x128xi32, #tpu.memory_space<vmem>>
    %dma_wait3A_33 = tpu.memref_squeeze %dma_wait3A_32 : memref<1x8x128xi32, #tpu.memory_space<vmem>> -> memref<8x128xi32, #tpu.memory_space<vmem>>
    %dma_wait3A_34 = arith.constant 0 : i32
    %dma_wait3A_35 = arith.constant 0 : i32
    %dma_wait3A_36 = tpu.memref_slice %arg2[%dma_wait3A_34, %dma_wait3A_35] : memref<6400x128xi32, #tpu.memory_space<hbm>> -> memref<8x128xi32, #tpu.memory_space<hbm>>
    tpu.wait_dma2 semaphore(%dma_wait3A_29 : memref<!tpu.dma_semaphore, #tpu.memory_space<semaphore_mem>>) src(%dma_wait3A_36 : memref<8x128xi32, #tpu.memory_space<hbm>>) dst(%dma_wait3A_33 : memref<8x128xi32, #tpu.memory_space<vmem>>)
    %dma_start3A_37 = arith.constant 0 : i32
    %dma_start3A_38 = arith.constant 0 : i32
    %dma_start3A_39 = arith.constant 0 : i32
    %dma_start3A_40 = arith.constant 0 : i32
    %dma_start3A_41 = arith.constant 0 : i32
    %dma_start3A_42 = arith.constant 0 : i32
    %dma_start3A_43 = tpu.memref_slice %arg6[%dma_start3A_39, %dma_start3A_41, %dma_start3A_42] : memref<3x512x64xf32, #tpu.memory_space<vmem>> -> memref<1x128x64xf32, #tpu.memory_space<vmem>>
    %dma_start3A_44 = tpu.memref_squeeze %dma_start3A_43 : memref<1x128x64xf32, #tpu.memory_space<vmem>> -> memref<128x64xf32, #tpu.memory_space<vmem>>
    %dma_start3A_45 = arith.constant 0 : i32
    %dma_start3A_46 = tpu.memref_slice %arg5[%dma_start3A_37, %dma_start3A_38, %dma_start3A_45] : memref<2x8x128xi32, #tpu.memory_space<vmem>> -> memref<1x1x128xi32, #tpu.memory_space<vmem>>
    %dma_start3A_47 = tpu.memref_squeeze %dma_start3A_46 : memref<1x1x128xi32, #tpu.memory_space<vmem>> -> memref<128xi32, #tpu.memory_space<vmem>>
    %dma_start3A_48 = arith.constant 0 : i32
    %dma_start3A_49 = arith.constant 0 : i32
    %dma_start3A_50 = tpu.memref_slice %arg3[%dma_start3A_48, %dma_start3A_49] : memref<1000000x64xf32, #tpu.memory_space<hbm>> -> memref<1000000x64xf32, #tpu.memory_space<hbm>>
    %dma_start3A_51 = tpu.memref_slice %arg7[%dma_start3A_40] : memref<3x!tpu.dma_semaphore, #tpu.memory_space<semaphore_mem>> -> memref<1x!tpu.dma_semaphore, #tpu.memory_space<semaphore_mem>>
    %dma_start3A_52 = tpu.memref_squeeze %dma_start3A_51 : memref<1x!tpu.dma_semaphore, #tpu.memory_space<semaphore_mem>> -> memref<!tpu.dma_semaphore, #tpu.memory_space<semaphore_mem>>
    tpu.enqueue_indirect_dma source(%dma_start3A_50 : memref<1000000x64xf32, #tpu.memory_space<hbm>>) target(%dma_start3A_44 : memref<128x64xf32, #tpu.memory_space<vmem>>) offsets(%dma_start3A_47 : memref<128xi32, #tpu.memory_space<vmem>>) semaphore(%dma_start3A_52 : memref<!tpu.dma_semaphore, #tpu.memory_space<semaphore_mem>>)
    %dma_start3A_53 = arith.constant 0 : i32
    %dma_start3A_54 = arith.constant 1 : i32
    %dma_start3A_55 = arith.constant 0 : i32
    %dma_start3A_56 = arith.constant 0 : i32
    %dma_start3A_57 = arith.constant 128 : i32
    %dma_start3A_58 = arith.constant 0 : i32
    %dma_start3A_59 = tpu.memref_slice %arg6[%dma_start3A_55, %dma_start3A_57, %dma_start3A_58] : memref<3x512x64xf32, #tpu.memory_space<vmem>> -> memref<1x128x64xf32, #tpu.memory_space<vmem>>
    %dma_start3A_60 = tpu.memref_squeeze %dma_start3A_59 : memref<1x128x64xf32, #tpu.memory_space<vmem>> -> memref<128x64xf32, #tpu.memory_space<vmem>>
    %dma_start3A_61 = arith.constant 0 : i32
    %dma_start3A_62 = tpu.memref_slice %arg5[%dma_start3A_53, %dma_start3A_54, %dma_start3A_61] : memref<2x8x128xi32, #tpu.memory_space<vmem>> -> memref<1x1x128xi32, #tpu.memory_space<vmem>>
    %dma_start3A_63 = tpu.memref_squeeze %dma_start3A_62 : memref<1x1x128xi32, #tpu.memory_space<vmem>> -> memref<128xi32, #tpu.memory_space<vmem>>
    %dma_start3A_64 = arith.constant 0 : i32
    %dma_start3A_65 = arith.constant 0 : i32
    %dma_start3A_66 = tpu.memref_slice %arg3[%dma_start3A_64, %dma_start3A_65] : memref<1000000x64xf32, #tpu.memory_space<hbm>> -> memref<1000000x64xf32, #tpu.memory_space<hbm>>
    %dma_start3A_67 = tpu.memref_slice %arg7[%dma_start3A_56] : memref<3x!tpu.dma_semaphore, #tpu.memory_space<semaphore_mem>> -> memref<1x!tpu.dma_semaphore, #tpu.memory_space<semaphore_mem>>
    %dma_start3A_68 = tpu.memref_squeeze %dma_start3A_67 : memref<1x!tpu.dma_semaphore, #tpu.memory_space<semaphore_mem>> -> memref<!tpu.dma_semaphore, #tpu.memory_space<semaphore_mem>>
    tpu.enqueue_indirect_dma source(%dma_start3A_66 : memref<1000000x64xf32, #tpu.memory_space<hbm>>) target(%dma_start3A_60 : memref<128x64xf32, #tpu.memory_space<vmem>>) offsets(%dma_start3A_63 : memref<128xi32, #tpu.memory_space<vmem>>) semaphore(%dma_start3A_68 : memref<!tpu.dma_semaphore, #tpu.memory_space<semaphore_mem>>)
    %dma_start3A_69 = arith.constant 0 : i32
    %dma_start3A_70 = arith.constant 2 : i32
    %dma_start3A_71 = arith.constant 0 : i32
    %dma_start3A_72 = arith.constant 0 : i32
    %dma_start3A_73 = arith.constant 256 : i32
    %dma_start3A_74 = arith.constant 0 : i32
    %dma_start3A_75 = tpu.memref_slice %arg6[%dma_start3A_71, %dma_start3A_73, %dma_start3A_74] : memref<3x512x64xf32, #tpu.memory_space<vmem>> -> memref<1x128x64xf32, #tpu.memory_space<vmem>>
    %dma_start3A_76 = tpu.memref_squeeze %dma_start3A_75 : memref<1x128x64xf32, #tpu.memory_space<vmem>> -> memref<128x64xf32, #tpu.memory_space<vmem>>
    %dma_start3A_77 = arith.constant 0 : i32
    %dma_start3A_78 = tpu.memref_slice %arg5[%dma_start3A_69, %dma_start3A_70, %dma_start3A_77] : memref<2x8x128xi32, #tpu.memory_space<vmem>> -> memref<1x1x128xi32, #tpu.memory_space<vmem>>
    %dma_start3A_79 = tpu.memref_squeeze %dma_start3A_78 : memref<1x1x128xi32, #tpu.memory_space<vmem>> -> memref<128xi32, #tpu.memory_space<vmem>>
    %dma_start3A_80 = arith.constant 0 : i32
    %dma_start3A_81 = arith.constant 0 : i32
    %dma_start3A_82 = tpu.memref_slice %arg3[%dma_start3A_80, %dma_start3A_81] : memref<1000000x64xf32, #tpu.memory_space<hbm>> -> memref<1000000x64xf32, #tpu.memory_space<hbm>>
    %dma_start3A_83 = tpu.memref_slice %arg7[%dma_start3A_72] : memref<3x!tpu.dma_semaphore, #tpu.memory_space<semaphore_mem>> -> memref<1x!tpu.dma_semaphore, #tpu.memory_space<semaphore_mem>>
    %dma_start3A_84 = tpu.memref_squeeze %dma_start3A_83 : memref<1x!tpu.dma_semaphore, #tpu.memory_space<semaphore_mem>> -> memref<!tpu.dma_semaphore, #tpu.memory_space<semaphore_mem>>
    tpu.enqueue_indirect_dma source(%dma_start3A_82 : memref<1000000x64xf32, #tpu.memory_space<hbm>>) target(%dma_start3A_76 : memref<128x64xf32, #tpu.memory_space<vmem>>) offsets(%dma_start3A_79 : memref<128xi32, #tpu.memory_space<vmem>>) semaphore(%dma_start3A_84 : memref<!tpu.dma_semaphore, #tpu.memory_space<semaphore_mem>>)
    %dma_start3A_85 = arith.constant 0 : i32
    %dma_start3A_86 = arith.constant 3 : i32
    %dma_start3A_87 = arith.constant 0 : i32
    %dma_start3A_88 = arith.constant 0 : i32
    %dma_start3A_89 = arith.constant 384 : i32
    %dma_start3A_90 = arith.constant 0 : i32
    %dma_start3A_91 = tpu.memref_slice %arg6[%dma_start3A_87, %dma_start3A_89, %dma_start3A_90] : memref<3x512x64xf32, #tpu.memory_space<vmem>> -> memref<1x128x64xf32, #tpu.memory_space<vmem>>
    %dma_start3A_92 = tpu.memref_squeeze %dma_start3A_91 : memref<1x128x64xf32, #tpu.memory_space<vmem>> -> memref<128x64xf32, #tpu.memory_space<vmem>>
    %dma_start3A_93 = arith.constant 0 : i32
    %dma_start3A_94 = tpu.memref_slice %arg5[%dma_start3A_85, %dma_start3A_86, %dma_start3A_93] : memref<2x8x128xi32, #tpu.memory_space<vmem>> -> memref<1x1x128xi32, #tpu.memory_space<vmem>>
    %dma_start3A_95 = tpu.memref_squeeze %dma_start3A_94 : memref<1x1x128xi32, #tpu.memory_space<vmem>> -> memref<128xi32, #tpu.memory_space<vmem>>
    %dma_start3A_96 = arith.constant 0 : i32
    %dma_start3A_97 = arith.constant 0 : i32
    %dma_start3A_98 = tpu.memref_slice %arg3[%dma_start3A_96, %dma_start3A_97] : memref<1000000x64xf32, #tpu.memory_space<hbm>> -> memref<1000000x64xf32, #tpu.memory_space<hbm>>
    %dma_start3A_99 = tpu.memref_slice %arg7[%dma_start3A_88] : memref<3x!tpu.dma_semaphore, #tpu.memory_space<semaphore_mem>> -> memref<1x!tpu.dma_semaphore, #tpu.memory_space<semaphore_mem>>
    %dma_start3A_100 = tpu.memref_squeeze %dma_start3A_99 : memref<1x!tpu.dma_semaphore, #tpu.memory_space<semaphore_mem>> -> memref<!tpu.dma_semaphore, #tpu.memory_space<semaphore_mem>>
    tpu.enqueue_indirect_dma source(%dma_start3A_98 : memref<1000000x64xf32, #tpu.memory_space<hbm>>) target(%dma_start3A_92 : memref<128x64xf32, #tpu.memory_space<vmem>>) offsets(%dma_start3A_95 : memref<128xi32, #tpu.memory_space<vmem>>) semaphore(%dma_start3A_100 : memref<!tpu.dma_semaphore, #tpu.memory_space<semaphore_mem>>)
    %dma_start3A_101 = arith.constant 0 : i32
    %dma_start3A_102 = arith.constant 4 : i32
    %dma_start3A_103 = arith.constant 1 : i32
    %dma_start3A_104 = arith.constant 1 : i32
    %dma_start3A_105 = arith.constant 0 : i32
    %dma_start3A_106 = arith.constant 0 : i32
    %dma_start3A_107 = tpu.memref_slice %arg6[%dma_start3A_103, %dma_start3A_105, %dma_start3A_106] : memref<3x512x64xf32, #tpu.memory_space<vmem>> -> memref<1x128x64xf32, #tpu.memory_space<vmem>>
    %dma_start3A_108 = tpu.memref_squeeze %dma_start3A_107 : memref<1x128x64xf32, #tpu.memory_space<vmem>> -> memref<128x64xf32, #tpu.memory_space<vmem>>
    %dma_start3A_109 = arith.constant 0 : i32
    %dma_start3A_110 = tpu.memref_slice %arg5[%dma_start3A_101, %dma_start3A_102, %dma_start3A_109] : memref<2x8x128xi32, #tpu.memory_space<vmem>> -> memref<1x1x128xi32, #tpu.memory_space<vmem>>
    %dma_start3A_111 = tpu.memref_squeeze %dma_start3A_110 : memref<1x1x128xi32, #tpu.memory_space<vmem>> -> memref<128xi32, #tpu.memory_space<vmem>>
    %dma_start3A_112 = arith.constant 0 : i32
    %dma_start3A_113 = arith.constant 0 : i32
    %dma_start3A_114 = tpu.memref_slice %arg3[%dma_start3A_112, %dma_start3A_113] : memref<1000000x64xf32, #tpu.memory_space<hbm>> -> memref<1000000x64xf32, #tpu.memory_space<hbm>>
    %dma_start3A_115 = tpu.memref_slice %arg7[%dma_start3A_104] : memref<3x!tpu.dma_semaphore, #tpu.memory_space<semaphore_mem>> -> memref<1x!tpu.dma_semaphore, #tpu.memory_space<semaphore_mem>>
    %dma_start3A_116 = tpu.memref_squeeze %dma_start3A_115 : memref<1x!tpu.dma_semaphore, #tpu.memory_space<semaphore_mem>> -> memref<!tpu.dma_semaphore, #tpu.memory_space<semaphore_mem>>
    tpu.enqueue_indirect_dma source(%dma_start3A_114 : memref<1000000x64xf32, #tpu.memory_space<hbm>>) target(%dma_start3A_108 : memref<128x64xf32, #tpu.memory_space<vmem>>) offsets(%dma_start3A_111 : memref<128xi32, #tpu.memory_space<vmem>>) semaphore(%dma_start3A_116 : memref<!tpu.dma_semaphore, #tpu.memory_space<semaphore_mem>>)
    %dma_start3A_117 = arith.constant 0 : i32
    %dma_start3A_118 = arith.constant 5 : i32
    %dma_start3A_119 = arith.constant 1 : i32
    %dma_start3A_120 = arith.constant 1 : i32
    %dma_start3A_121 = arith.constant 128 : i32
    %dma_start3A_122 = arith.constant 0 : i32
    %dma_start3A_123 = tpu.memref_slice %arg6[%dma_start3A_119, %dma_start3A_121, %dma_start3A_122] : memref<3x512x64xf32, #tpu.memory_space<vmem>> -> memref<1x128x64xf32, #tpu.memory_space<vmem>>
    %dma_start3A_124 = tpu.memref_squeeze %dma_start3A_123 : memref<1x128x64xf32, #tpu.memory_space<vmem>> -> memref<128x64xf32, #tpu.memory_space<vmem>>
    %dma_start3A_125 = arith.constant 0 : i32
    %dma_start3A_126 = tpu.memref_slice %arg5[%dma_start3A_117, %dma_start3A_118, %dma_start3A_125] : memref<2x8x128xi32, #tpu.memory_space<vmem>> -> memref<1x1x128xi32, #tpu.memory_space<vmem>>
    %dma_start3A_127 = tpu.memref_squeeze %dma_start3A_126 : memref<1x1x128xi32, #tpu.memory_space<vmem>> -> memref<128xi32, #tpu.memory_space<vmem>>
    %dma_start3A_128 = arith.constant 0 : i32
    %dma_start3A_129 = arith.constant 0 : i32
    %dma_start3A_130 = tpu.memref_slice %arg3[%dma_start3A_128, %dma_start3A_129] : memref<1000000x64xf32, #tpu.memory_space<hbm>> -> memref<1000000x64xf32, #tpu.memory_space<hbm>>
    %dma_start3A_131 = tpu.memref_slice %arg7[%dma_start3A_120] : memref<3x!tpu.dma_semaphore, #tpu.memory_space<semaphore_mem>> -> memref<1x!tpu.dma_semaphore, #tpu.memory_space<semaphore_mem>>
    %dma_start3A_132 = tpu.memref_squeeze %dma_start3A_131 : memref<1x!tpu.dma_semaphore, #tpu.memory_space<semaphore_mem>> -> memref<!tpu.dma_semaphore, #tpu.memory_space<semaphore_mem>>
    tpu.enqueue_indirect_dma source(%dma_start3A_130 : memref<1000000x64xf32, #tpu.memory_space<hbm>>) target(%dma_start3A_124 : memref<128x64xf32, #tpu.memory_space<vmem>>) offsets(%dma_start3A_127 : memref<128xi32, #tpu.memory_space<vmem>>) semaphore(%dma_start3A_132 : memref<!tpu.dma_semaphore, #tpu.memory_space<semaphore_mem>>)
    %dma_start3A_133 = arith.constant 0 : i32
    %dma_start3A_134 = arith.constant 6 : i32
    %dma_start3A_135 = arith.constant 1 : i32
    %dma_start3A_136 = arith.constant 1 : i32
    %dma_start3A_137 = arith.constant 256 : i32
    %dma_start3A_138 = arith.constant 0 : i32
    %dma_start3A_139 = tpu.memref_slice %arg6[%dma_start3A_135, %dma_start3A_137, %dma_start3A_138] : memref<3x512x64xf32, #tpu.memory_space<vmem>> -> memref<1x128x64xf32, #tpu.memory_space<vmem>>
    %dma_start3A_140 = tpu.memref_squeeze %dma_start3A_139 : memref<1x128x64xf32, #tpu.memory_space<vmem>> -> memref<128x64xf32, #tpu.memory_space<vmem>>
    %dma_start3A_141 = arith.constant 0 : i32
    %dma_start3A_142 = tpu.memref_slice %arg5[%dma_start3A_133, %dma_start3A_134, %dma_start3A_141] : memref<2x8x128xi32, #tpu.memory_space<vmem>> -> memref<1x1x128xi32, #tpu.memory_space<vmem>>
    %dma_start3A_143 = tpu.memref_squeeze %dma_start3A_142 : memref<1x1x128xi32, #tpu.memory_space<vmem>> -> memref<128xi32, #tpu.memory_space<vmem>>
    %dma_start3A_144 = arith.constant 0 : i32
    %dma_start3A_145 = arith.constant 0 : i32
    %dma_start3A_146 = tpu.memref_slice %arg3[%dma_start3A_144, %dma_start3A_145] : memref<1000000x64xf32, #tpu.memory_space<hbm>> -> memref<1000000x64xf32, #tpu.memory_space<hbm>>
    %dma_start3A_147 = tpu.memref_slice %arg7[%dma_start3A_136] : memref<3x!tpu.dma_semaphore, #tpu.memory_space<semaphore_mem>> -> memref<1x!tpu.dma_semaphore, #tpu.memory_space<semaphore_mem>>
    %dma_start3A_148 = tpu.memref_squeeze %dma_start3A_147 : memref<1x!tpu.dma_semaphore, #tpu.memory_space<semaphore_mem>> -> memref<!tpu.dma_semaphore, #tpu.memory_space<semaphore_mem>>
    tpu.enqueue_indirect_dma source(%dma_start3A_146 : memref<1000000x64xf32, #tpu.memory_space<hbm>>) target(%dma_start3A_140 : memref<128x64xf32, #tpu.memory_space<vmem>>) offsets(%dma_start3A_143 : memref<128xi32, #tpu.memory_space<vmem>>) semaphore(%dma_start3A_148 : memref<!tpu.dma_semaphore, #tpu.memory_space<semaphore_mem>>)
    %dma_start3A_149 = arith.constant 0 : i32
    %dma_start3A_150 = arith.constant 7 : i32
    %dma_start3A_151 = arith.constant 1 : i32
    %dma_start3A_152 = arith.constant 1 : i32
    %dma_start3A_153 = arith.constant 384 : i32
    %dma_start3A_154 = arith.constant 0 : i32
    %dma_start3A_155 = tpu.memref_slice %arg6[%dma_start3A_151, %dma_start3A_153, %dma_start3A_154] : memref<3x512x64xf32, #tpu.memory_space<vmem>> -> memref<1x128x64xf32, #tpu.memory_space<vmem>>
    %dma_start3A_156 = tpu.memref_squeeze %dma_start3A_155 : memref<1x128x64xf32, #tpu.memory_space<vmem>> -> memref<128x64xf32, #tpu.memory_space<vmem>>
    %dma_start3A_157 = arith.constant 0 : i32
    %dma_start3A_158 = tpu.memref_slice %arg5[%dma_start3A_149, %dma_start3A_150, %dma_start3A_157] : memref<2x8x128xi32, #tpu.memory_space<vmem>> -> memref<1x1x128xi32, #tpu.memory_space<vmem>>
    %dma_start3A_159 = tpu.memref_squeeze %dma_start3A_158 : memref<1x1x128xi32, #tpu.memory_space<vmem>> -> memref<128xi32, #tpu.memory_space<vmem>>
    %dma_start3A_160 = arith.constant 0 : i32
    %dma_start3A_161 = arith.constant 0 : i32
    %dma_start3A_162 = tpu.memref_slice %arg3[%dma_start3A_160, %dma_start3A_161] : memref<1000000x64xf32, #tpu.memory_space<hbm>> -> memref<1000000x64xf32, #tpu.memory_space<hbm>>
    %dma_start3A_163 = tpu.memref_slice %arg7[%dma_start3A_152] : memref<3x!tpu.dma_semaphore, #tpu.memory_space<semaphore_mem>> -> memref<1x!tpu.dma_semaphore, #tpu.memory_space<semaphore_mem>>
    %dma_start3A_164 = tpu.memref_squeeze %dma_start3A_163 : memref<1x!tpu.dma_semaphore, #tpu.memory_space<semaphore_mem>> -> memref<!tpu.dma_semaphore, #tpu.memory_space<semaphore_mem>>
    tpu.enqueue_indirect_dma source(%dma_start3A_162 : memref<1000000x64xf32, #tpu.memory_space<hbm>>) target(%dma_start3A_156 : memref<128x64xf32, #tpu.memory_space<vmem>>) offsets(%dma_start3A_159 : memref<128xi32, #tpu.memory_space<vmem>>) semaphore(%dma_start3A_164 : memref<!tpu.dma_semaphore, #tpu.memory_space<semaphore_mem>>)
    %add3A_165 = arith.constant 8 : i32
    %add3A_166 = arith.addi %mul3A_2, %add3A_165 : i32
    %dma_start3A_167 = arith.constant 1 : i32
    %dma_start3A_168 = arith.constant 1 : i32
    %dma_start3A_169 = arith.constant 0 : i32
    %dma_start3A_170 = arith.constant 0 : i32
    %dma_start3A_171 = tpu.memref_slice %arg5[%dma_start3A_167, %dma_start3A_169, %dma_start3A_170] : memref<2x8x128xi32, #tpu.memory_space<vmem>> -> memref<1x8x128xi32, #tpu.memory_space<vmem>>
    %dma_start3A_172 = tpu.memref_squeeze %dma_start3A_171 : memref<1x8x128xi32, #tpu.memory_space<vmem>> -> memref<8x128xi32, #tpu.memory_space<vmem>>
    %dma_start3A_173 = arith.constant 0 : i32
    %dma_start3A_174 = tpu.memref_slice %arg2[%add3A_166, %dma_start3A_173] : memref<6400x128xi32, #tpu.memory_space<hbm>> -> memref<8x128xi32, #tpu.memory_space<hbm>>
    %dma_start3A_175 = tpu.memref_slice %arg9[%dma_start3A_168] : memref<2x!tpu.dma_semaphore, #tpu.memory_space<semaphore_mem>> -> memref<1x!tpu.dma_semaphore, #tpu.memory_space<semaphore_mem>>
    %dma_start3A_176 = tpu.memref_squeeze %dma_start3A_175 : memref<1x!tpu.dma_semaphore, #tpu.memory_space<semaphore_mem>> -> memref<!tpu.dma_semaphore, #tpu.memory_space<semaphore_mem>>
    %dma_start3A_177 = arith.constant 0 : i32
    %dma_start3A_178 = arith.constant 0 : i32
    %dma_start3A_179 = tpu.memref_slice %arg5[%dma_start3A_167, %dma_start3A_177, %dma_start3A_178] : memref<2x8x128xi32, #tpu.memory_space<vmem>> -> memref<1x8x128xi32, #tpu.memory_space<vmem>>
    %dma_start3A_180 = tpu.memref_squeeze %dma_start3A_179 : memref<1x8x128xi32, #tpu.memory_space<vmem>> -> memref<8x128xi32, #tpu.memory_space<vmem>>
    %dma_start3A_181 = arith.constant 0 : i32
    %dma_start3A_182 = tpu.memref_slice %arg2[%add3A_166, %dma_start3A_181] : memref<6400x128xi32, #tpu.memory_space<hbm>> -> memref<8x128xi32, #tpu.memory_space<hbm>>
    tpu.enqueue_dma source(%dma_start3A_182 : memref<8x128xi32, #tpu.memory_space<hbm>>) target(%dma_start3A_180 : memref<8x128xi32, #tpu.memory_space<vmem>>) target_semaphore(%dma_start3A_176 : memref<!tpu.dma_semaphore, #tpu.memory_space<semaphore_mem>>)
    %scan3A = arith.constant 0 : i32
    %scan3A_183 = arith.constant 0 : i32
    %scan3A_184 = arith.constant 50 : i32
    %scan3A_185 = arith.addi %scan3A_183, %scan3A_184 : i32
    %scan3A_186 = arith.constant 1 : i32
    scf.for %scan3A_242 = %scan3A_183 to %scan3A_185 step %scan3A_186  : i32 {
      %jit3A = arith.constant 3 : i32
      %eq3A = arith.constant 0 : i32
      %eq3A_243 = arith.cmpi eq, %jit3A, %eq3A : i32
      %jit3A_244 = arith.constant 1 : i32
      %select_n3A = arith.select %eq3A_243, %jit3A_244, %jit3A : i32
      %rem3A = arith.remsi %scan3A_242, %select_n3A : i32
      %ne3A = arith.constant 0 : i32
      %ne3A_245 = arith.cmpi ne, %rem3A, %ne3A : i32
      %lt3A = arith.constant 0 : i32
      %lt3A_246 = arith.cmpi slt, %rem3A, %lt3A : i32
      %lt3A_247 = arith.constant 0 : i32
      %lt3A_248 = arith.cmpi slt, %select_n3A, %lt3A_247 : i32
      %ne3A_249 = arith.xori %lt3A_246, %lt3A_248 : i1
      %and3A = arith.andi %ne3A_249, %ne3A_245 : i1
      %add3A_250 = arith.addi %rem3A, %select_n3A : i32
      %select_n3A_251 = arith.select %and3A, %add3A_250, %rem3A : i32
      %add3A_252 = arith.constant 2 : i32
      %add3A_253 = arith.addi %scan3A_242, %add3A_252 : i32
      %jit3A_254 = arith.constant 3 : i32
      %eq3A_255 = arith.constant 0 : i32
      %eq3A_256 = arith.cmpi eq, %jit3A_254, %eq3A_255 : i32
      %jit3A_257 = arith.constant 1 : i32
      %select_n3A_258 = arith.select %eq3A_256, %jit3A_257, %jit3A_254 : i32
      %rem3A_259 = arith.remsi %add3A_253, %select_n3A_258 : i32
      %ne3A_260 = arith.constant 0 : i32
      %ne3A_261 = arith.cmpi ne, %rem3A_259, %ne3A_260 : i32
      %lt3A_262 = arith.constant 0 : i32
      %lt3A_263 = arith.cmpi slt, %rem3A_259, %lt3A_262 : i32
      %lt3A_264 = arith.constant 0 : i32
      %lt3A_265 = arith.cmpi slt, %select_n3A_258, %lt3A_264 : i32
      %ne3A_266 = arith.xori %lt3A_263, %lt3A_265 : i1
      %and3A_267 = arith.andi %ne3A_266, %ne3A_261 : i1
      %add3A_268 = arith.addi %rem3A_259, %select_n3A_258 : i32
      %select_n3A_269 = arith.select %and3A_267, %add3A_268, %rem3A_259 : i32
      %dma_wait3A_270 = arith.constant 0 : i32
      %dma_wait3A_271 = arith.constant 0 : i32
      %dma_wait3A_272 = arith.constant 0 : i32
      %dma_wait3A_273 = arith.constant 0 : i32
      %dma_wait3A_274 = tpu.memref_slice %arg6[%select_n3A_251, %dma_wait3A_272, %dma_wait3A_273] : memref<3x512x64xf32, #tpu.memory_space<vmem>> -> memref<1x128x64xf32, #tpu.memory_space<vmem>>
      %dma_wait3A_275 = tpu.memref_squeeze %dma_wait3A_274 : memref<1x128x64xf32, #tpu.memory_space<vmem>> -> memref<128x64xf32, #tpu.memory_space<vmem>>
      %dma_wait3A_276 = arith.constant 0 : i32
      %dma_wait3A_277 = tpu.memref_slice %arg5[%dma_wait3A_270, %dma_wait3A_271, %dma_wait3A_276] : memref<2x8x128xi32, #tpu.memory_space<vmem>> -> memref<1x1x128xi32, #tpu.memory_space<vmem>>
      %dma_wait3A_278 = tpu.memref_squeeze %dma_wait3A_277 : memref<1x1x128xi32, #tpu.memory_space<vmem>> -> memref<128xi32, #tpu.memory_space<vmem>>
      %dma_wait3A_279 = arith.constant 0 : i32
      %dma_wait3A_280 = arith.constant 0 : i32
      %dma_wait3A_281 = tpu.memref_slice %arg3[%dma_wait3A_279, %dma_wait3A_280] : memref<1000000x64xf32, #tpu.memory_space<hbm>> -> memref<1000000x64xf32, #tpu.memory_space<hbm>>
      %dma_wait3A_282 = tpu.memref_slice %arg7[%select_n3A_251] : memref<3x!tpu.dma_semaphore, #tpu.memory_space<semaphore_mem>> -> memref<1x!tpu.dma_semaphore, #tpu.memory_space<semaphore_mem>>
      %dma_wait3A_283 = tpu.memref_squeeze %dma_wait3A_282 : memref<1x!tpu.dma_semaphore, #tpu.memory_space<semaphore_mem>> -> memref<!tpu.dma_semaphore, #tpu.memory_space<semaphore_mem>>
      tpu.wait_indirect_dma semaphore(%dma_wait3A_283 : memref<!tpu.dma_semaphore, #tpu.memory_space<semaphore_mem>>) src(%dma_wait3A_281 : memref<1000000x64xf32, #tpu.memory_space<hbm>>) dst(%dma_wait3A_275 : memref<128x64xf32, #tpu.memory_space<vmem>>)
      %dma_wait3A_284 = arith.constant 0 : i32
      %dma_wait3A_285 = arith.constant 0 : i32
      %dma_wait3A_286 = arith.constant 128 : i32
      %dma_wait3A_287 = arith.constant 0 : i32
      %dma_wait3A_288 = tpu.memref_slice %arg6[%select_n3A_251, %dma_wait3A_286, %dma_wait3A_287] : memref<3x512x64xf32, #tpu.memory_space<vmem>> -> memref<1x128x64xf32, #tpu.memory_space<vmem>>
      %dma_wait3A_289 = tpu.memref_squeeze %dma_wait3A_288 : memref<1x128x64xf32, #tpu.memory_space<vmem>> -> memref<128x64xf32, #tpu.memory_space<vmem>>
      %dma_wait3A_290 = arith.constant 0 : i32
      %dma_wait3A_291 = tpu.memref_slice %arg5[%dma_wait3A_284, %dma_wait3A_285, %dma_wait3A_290] : memref<2x8x128xi32, #tpu.memory_space<vmem>> -> memref<1x1x128xi32, #tpu.memory_space<vmem>>
      %dma_wait3A_292 = tpu.memref_squeeze %dma_wait3A_291 : memref<1x1x128xi32, #tpu.memory_space<vmem>> -> memref<128xi32, #tpu.memory_space<vmem>>
      %dma_wait3A_293 = arith.constant 0 : i32
      %dma_wait3A_294 = arith.constant 0 : i32
      %dma_wait3A_295 = tpu.memref_slice %arg3[%dma_wait3A_293, %dma_wait3A_294] : memref<1000000x64xf32, #tpu.memory_space<hbm>> -> memref<1000000x64xf32, #tpu.memory_space<hbm>>
      %dma_wait3A_296 = tpu.memref_slice %arg7[%select_n3A_251] : memref<3x!tpu.dma_semaphore, #tpu.memory_space<semaphore_mem>> -> memref<1x!tpu.dma_semaphore, #tpu.memory_space<semaphore_mem>>
      %dma_wait3A_297 = tpu.memref_squeeze %dma_wait3A_296 : memref<1x!tpu.dma_semaphore, #tpu.memory_space<semaphore_mem>> -> memref<!tpu.dma_semaphore, #tpu.memory_space<semaphore_mem>>
      tpu.wait_indirect_dma semaphore(%dma_wait3A_297 : memref<!tpu.dma_semaphore, #tpu.memory_space<semaphore_mem>>) src(%dma_wait3A_295 : memref<1000000x64xf32, #tpu.memory_space<hbm>>) dst(%dma_wait3A_289 : memref<128x64xf32, #tpu.memory_space<vmem>>)
      %dma_wait3A_298 = arith.constant 0 : i32
      %dma_wait3A_299 = arith.constant 0 : i32
      %dma_wait3A_300 = arith.constant 256 : i32
      %dma_wait3A_301 = arith.constant 0 : i32
      %dma_wait3A_302 = tpu.memref_slice %arg6[%select_n3A_251, %dma_wait3A_300, %dma_wait3A_301] : memref<3x512x64xf32, #tpu.memory_space<vmem>> -> memref<1x128x64xf32, #tpu.memory_space<vmem>>
      %dma_wait3A_303 = tpu.memref_squeeze %dma_wait3A_302 : memref<1x128x64xf32, #tpu.memory_space<vmem>> -> memref<128x64xf32, #tpu.memory_space<vmem>>
      %dma_wait3A_304 = arith.constant 0 : i32
      %dma_wait3A_305 = tpu.memref_slice %arg5[%dma_wait3A_298, %dma_wait3A_299, %dma_wait3A_304] : memref<2x8x128xi32, #tpu.memory_space<vmem>> -> memref<1x1x128xi32, #tpu.memory_space<vmem>>
      %dma_wait3A_306 = tpu.memref_squeeze %dma_wait3A_305 : memref<1x1x128xi32, #tpu.memory_space<vmem>> -> memref<128xi32, #tpu.memory_space<vmem>>
      %dma_wait3A_307 = arith.constant 0 : i32
      %dma_wait3A_308 = arith.constant 0 : i32
      %dma_wait3A_309 = tpu.memref_slice %arg3[%dma_wait3A_307, %dma_wait3A_308] : memref<1000000x64xf32, #tpu.memory_space<hbm>> -> memref<1000000x64xf32, #tpu.memory_space<hbm>>
      %dma_wait3A_310 = tpu.memref_slice %arg7[%select_n3A_251] : memref<3x!tpu.dma_semaphore, #tpu.memory_space<semaphore_mem>> -> memref<1x!tpu.dma_semaphore, #tpu.memory_space<semaphore_mem>>
      %dma_wait3A_311 = tpu.memref_squeeze %dma_wait3A_310 : memref<1x!tpu.dma_semaphore, #tpu.memory_space<semaphore_mem>> -> memref<!tpu.dma_semaphore, #tpu.memory_space<semaphore_mem>>
      tpu.wait_indirect_dma semaphore(%dma_wait3A_311 : memref<!tpu.dma_semaphore, #tpu.memory_space<semaphore_mem>>) src(%dma_wait3A_309 : memref<1000000x64xf32, #tpu.memory_space<hbm>>) dst(%dma_wait3A_303 : memref<128x64xf32, #tpu.memory_space<vmem>>)
      %dma_wait3A_312 = arith.constant 0 : i32
      %dma_wait3A_313 = arith.constant 0 : i32
      %dma_wait3A_314 = arith.constant 384 : i32
      %dma_wait3A_315 = arith.constant 0 : i32
      %dma_wait3A_316 = tpu.memref_slice %arg6[%select_n3A_251, %dma_wait3A_314, %dma_wait3A_315] : memref<3x512x64xf32, #tpu.memory_space<vmem>> -> memref<1x128x64xf32, #tpu.memory_space<vmem>>
      %dma_wait3A_317 = tpu.memref_squeeze %dma_wait3A_316 : memref<1x128x64xf32, #tpu.memory_space<vmem>> -> memref<128x64xf32, #tpu.memory_space<vmem>>
      %dma_wait3A_318 = arith.constant 0 : i32
      %dma_wait3A_319 = tpu.memref_slice %arg5[%dma_wait3A_312, %dma_wait3A_313, %dma_wait3A_318] : memref<2x8x128xi32, #tpu.memory_space<vmem>> -> memref<1x1x128xi32, #tpu.memory_space<vmem>>
      %dma_wait3A_320 = tpu.memref_squeeze %dma_wait3A_319 : memref<1x1x128xi32, #tpu.memory_space<vmem>> -> memref<128xi32, #tpu.memory_space<vmem>>
      %dma_wait3A_321 = arith.constant 0 : i32
      %dma_wait3A_322 = arith.constant 0 : i32
      %dma_wait3A_323 = tpu.memref_slice %arg3[%dma_wait3A_321, %dma_wait3A_322] : memref<1000000x64xf32, #tpu.memory_space<hbm>> -> memref<1000000x64xf32, #tpu.memory_space<hbm>>
      %dma_wait3A_324 = tpu.memref_slice %arg7[%select_n3A_251] : memref<3x!tpu.dma_semaphore, #tpu.memory_space<semaphore_mem>> -> memref<1x!tpu.dma_semaphore, #tpu.memory_space<semaphore_mem>>
      %dma_wait3A_325 = tpu.memref_squeeze %dma_wait3A_324 : memref<1x!tpu.dma_semaphore, #tpu.memory_space<semaphore_mem>> -> memref<!tpu.dma_semaphore, #tpu.memory_space<semaphore_mem>>
      tpu.wait_indirect_dma semaphore(%dma_wait3A_325 : memref<!tpu.dma_semaphore, #tpu.memory_space<semaphore_mem>>) src(%dma_wait3A_323 : memref<1000000x64xf32, #tpu.memory_space<hbm>>) dst(%dma_wait3A_317 : memref<128x64xf32, #tpu.memory_space<vmem>>)
      %add3A_326 = arith.constant 2 : i32
      %add3A_327 = arith.addi %scan3A_242, %add3A_326 : i32
      %lt3A_328 = arith.constant 50 : i32
      %lt3A_329 = arith.cmpi slt, %add3A_327, %lt3A_328 : i32
      %convert_element_type3A = arith.extui %lt3A_329 : i1 to i32
      %cond3A = arith.constant 0 : i32
      %cond3A_330 = arith.cmpi ne, %convert_element_type3A, %cond3A : i32
      scf.if %cond3A_330 {
        %add3A_350 = arith.constant 2 : i32
        %add3A_351 = arith.addi %scan3A_242, %add3A_350 : i32
        %jit3A_352 = arith.constant 2 : i32
        %eq3A_353 = arith.constant 0 : i32
        %eq3A_354 = arith.cmpi eq, %jit3A_352, %eq3A_353 : i32
        %jit3A_355 = arith.constant 1 : i32
        %select_n3A_356 = arith.select %eq3A_354, %jit3A_355, %jit3A_352 : i32
        %rem3A_357 = arith.remsi %add3A_351, %select_n3A_356 : i32
        %ne3A_358 = arith.constant 0 : i32
        %ne3A_359 = arith.cmpi ne, %rem3A_357, %ne3A_358 : i32
        %lt3A_360 = arith.constant 0 : i32
        %lt3A_361 = arith.cmpi slt, %rem3A_357, %lt3A_360 : i32
        %lt3A_362 = arith.constant 0 : i32
        %lt3A_363 = arith.cmpi slt, %select_n3A_356, %lt3A_362 : i32
        %ne3A_364 = arith.xori %lt3A_361, %lt3A_363 : i1
        %and3A_365 = arith.andi %ne3A_364, %ne3A_359 : i1
        %add3A_366 = arith.addi %rem3A_357, %select_n3A_356 : i32
        %select_n3A_367 = arith.select %and3A_365, %add3A_366, %rem3A_357 : i32
        %eq3A_368 = arith.constant 0 : i32
        %eq3A_369 = arith.cmpi eq, %select_n3A_367, %eq3A_368 : i32
        %convert_element_type3A_370 = arith.extui %eq3A_369 : i1 to i32
        %cond3A_371 = arith.constant 0 : i32
        %cond3A_372 = arith.cmpi ne, %convert_element_type3A_370, %cond3A_371 : i32
        scf.if %cond3A_372 {
          %add3A_542 = arith.constant 2 : i32
          %add3A_543 = arith.addi %scan3A_242, %add3A_542 : i32
          %jit3A_544 = arith.constant 2 : i32
          %div3A_545 = arith.divsi %add3A_543, %jit3A_544 : i32
          %sign3A_546 = arith.constant 0 : i32
          %sign3A_547 = arith.cmpi sgt, %add3A_543, %sign3A_546 : i32
          %sign3A_548 = arith.extui %sign3A_547 : i1 to i32
          %sign3A_549 = arith.constant 0 : i32
          %sign3A_550 = arith.cmpi slt, %add3A_543, %sign3A_549 : i32
          %sign3A_551 = arith.extui %sign3A_550 : i1 to i32
          %sign3A_552 = arith.subi %sign3A_548, %sign3A_551 : i32
          %sign3A_553 = arith.constant 0 : i32
          %sign3A_554 = arith.cmpi sgt, %jit3A_544, %sign3A_553 : i32
          %sign3A_555 = arith.extui %sign3A_554 : i1 to i32
          %sign3A_556 = arith.constant 0 : i32
          %sign3A_557 = arith.cmpi slt, %jit3A_544, %sign3A_556 : i32
          %sign3A_558 = arith.extui %sign3A_557 : i1 to i32
          %sign3A_559 = arith.subi %sign3A_555, %sign3A_558 : i32
          %ne3A_560 = arith.cmpi ne, %sign3A_552, %sign3A_559 : i32
          %rem3A_561 = arith.remsi %add3A_543, %jit3A_544 : i32
          %ne3A_562 = arith.constant 0 : i32
          %ne3A_563 = arith.cmpi ne, %rem3A_561, %ne3A_562 : i32
          %and3A_564 = arith.andi %ne3A_560, %ne3A_563 : i1
          %sub3A_565 = arith.constant 1 : i32
          %sub3A_566 = arith.subi %div3A_545, %sub3A_565 : i32
          %select_n3A_567 = arith.select %and3A_564, %sub3A_566, %div3A_545 : i32
          %jit3A_568 = arith.constant 2 : i32
          %eq3A_569 = arith.constant 0 : i32
          %eq3A_570 = arith.cmpi eq, %jit3A_568, %eq3A_569 : i32
          %jit3A_571 = arith.constant 1 : i32
          %select_n3A_572 = arith.select %eq3A_570, %jit3A_571, %jit3A_568 : i32
          %rem3A_573 = arith.remsi %select_n3A_567, %select_n3A_572 : i32
          %ne3A_574 = arith.constant 0 : i32
          %ne3A_575 = arith.cmpi ne, %rem3A_573, %ne3A_574 : i32
          %lt3A_576 = arith.constant 0 : i32
          %lt3A_577 = arith.cmpi slt, %rem3A_573, %lt3A_576 : i32
          %lt3A_578 = arith.constant 0 : i32
          %lt3A_579 = arith.cmpi slt, %select_n3A_572, %lt3A_578 : i32
          %ne3A_580 = arith.xori %lt3A_577, %lt3A_579 : i1
          %and3A_581 = arith.andi %ne3A_580, %ne3A_575 : i1
          %add3A_582 = arith.addi %rem3A_573, %select_n3A_572 : i32
          %select_n3A_583 = arith.select %and3A_581, %add3A_582, %rem3A_573 : i32
          %jit3A_584 = arith.constant 2 : i32
          %eq3A_585 = arith.constant 0 : i32
          %eq3A_586 = arith.cmpi eq, %jit3A_584, %eq3A_585 : i32
          %jit3A_587 = arith.constant 1 : i32
          %select_n3A_588 = arith.select %eq3A_586, %jit3A_587, %jit3A_584 : i32
          %rem3A_589 = arith.remsi %select_n3A_567, %select_n3A_588 : i32
          %ne3A_590 = arith.constant 0 : i32
          %ne3A_591 = arith.cmpi ne, %rem3A_589, %ne3A_590 : i32
          %lt3A_592 = arith.constant 0 : i32
          %lt3A_593 = arith.cmpi slt, %rem3A_589, %lt3A_592 : i32
          %lt3A_594 = arith.constant 0 : i32
          %lt3A_595 = arith.cmpi slt, %select_n3A_588, %lt3A_594 : i32
          %ne3A_596 = arith.xori %lt3A_593, %lt3A_595 : i1
          %and3A_597 = arith.andi %ne3A_596, %ne3A_591 : i1
          %add3A_598 = arith.addi %rem3A_589, %select_n3A_588 : i32
          %select_n3A_599 = arith.select %and3A_597, %add3A_598, %rem3A_589 : i32
          %dma_wait3A_600 = arith.constant 0 : i32
          %dma_wait3A_601 = arith.constant 0 : i32
          %dma_wait3A_602 = tpu.memref_slice %arg5[%select_n3A_583, %dma_wait3A_600, %dma_wait3A_601] : memref<2x8x128xi32, #tpu.memory_space<vmem>> -> memref<1x8x128xi32, #tpu.memory_space<vmem>>
          %dma_wait3A_603 = tpu.memref_squeeze %dma_wait3A_602 : memref<1x8x128xi32, #tpu.memory_space<vmem>> -> memref<8x128xi32, #tpu.memory_space<vmem>>
          %dma_wait3A_604 = arith.constant 0 : i32
          %dma_wait3A_605 = arith.constant 0 : i32
          %dma_wait3A_606 = tpu.memref_slice %arg2[%dma_wait3A_604, %dma_wait3A_605] : memref<6400x128xi32, #tpu.memory_space<hbm>> -> memref<8x128xi32, #tpu.memory_space<hbm>>
          %dma_wait3A_607 = tpu.memref_slice %arg9[%select_n3A_599] : memref<2x!tpu.dma_semaphore, #tpu.memory_space<semaphore_mem>> -> memref<1x!tpu.dma_semaphore, #tpu.memory_space<semaphore_mem>>
          %dma_wait3A_608 = tpu.memref_squeeze %dma_wait3A_607 : memref<1x!tpu.dma_semaphore, #tpu.memory_space<semaphore_mem>> -> memref<!tpu.dma_semaphore, #tpu.memory_space<semaphore_mem>>
          %dma_wait3A_609 = arith.constant 0 : i32
          %dma_wait3A_610 = arith.constant 0 : i32
          %dma_wait3A_611 = tpu.memref_slice %arg5[%select_n3A_583, %dma_wait3A_609, %dma_wait3A_610] : memref<2x8x128xi32, #tpu.memory_space<vmem>> -> memref<1x8x128xi32, #tpu.memory_space<vmem>>
          %dma_wait3A_612 = tpu.memref_squeeze %dma_wait3A_611 : memref<1x8x128xi32, #tpu.memory_space<vmem>> -> memref<8x128xi32, #tpu.memory_space<vmem>>
          %dma_wait3A_613 = arith.constant 0 : i32
          %dma_wait3A_614 = arith.constant 0 : i32
          %dma_wait3A_615 = tpu.memref_slice %arg2[%dma_wait3A_613, %dma_wait3A_614] : memref<6400x128xi32, #tpu.memory_space<hbm>> -> memref<8x128xi32, #tpu.memory_space<hbm>>
          tpu.wait_dma2 semaphore(%dma_wait3A_608 : memref<!tpu.dma_semaphore, #tpu.memory_space<semaphore_mem>>) src(%dma_wait3A_615 : memref<8x128xi32, #tpu.memory_space<hbm>>) dst(%dma_wait3A_612 : memref<8x128xi32, #tpu.memory_space<vmem>>)
        } else {
        }
        %ge3A = arith.constant 1 : i32
        %ge3A_373 = arith.cmpi sge, %scan3A_242, %ge3A : i32
        %convert_element_type3A_374 = arith.extui %ge3A_373 : i1 to i32
        %cond3A_375 = arith.constant 0 : i32
        %cond3A_376 = arith.cmpi ne, %convert_element_type3A_374, %cond3A_375 : i32
        scf.if %cond3A_376 {
          %dma_wait3A_542 = arith.constant 0 : i32
          %dma_wait3A_543 = arith.constant 0 : i32
          %dma_wait3A_544 = tpu.memref_slice %arg6[%select_n3A_269, %dma_wait3A_542, %dma_wait3A_543] : memref<3x512x64xf32, #tpu.memory_space<vmem>> -> memref<1x512x64xf32, #tpu.memory_space<vmem>>
          %dma_wait3A_545 = tpu.memref_squeeze %dma_wait3A_544 : memref<1x512x64xf32, #tpu.memory_space<vmem>> -> memref<512x64xf32, #tpu.memory_space<vmem>>
          %dma_wait3A_546 = arith.constant 0 : i32
          %dma_wait3A_547 = arith.constant 0 : i32
          %dma_wait3A_548 = tpu.memref_slice %arg4[%dma_wait3A_546, %dma_wait3A_547] : memref<819200x64xf32, #tpu.memory_space<hbm>> -> memref<512x64xf32, #tpu.memory_space<hbm>>
          %dma_wait3A_549 = tpu.memref_slice %arg8[%select_n3A_269] : memref<3x!tpu.dma_semaphore, #tpu.memory_space<semaphore_mem>> -> memref<1x!tpu.dma_semaphore, #tpu.memory_space<semaphore_mem>>
          %dma_wait3A_550 = tpu.memref_squeeze %dma_wait3A_549 : memref<1x!tpu.dma_semaphore, #tpu.memory_space<semaphore_mem>> -> memref<!tpu.dma_semaphore, #tpu.memory_space<semaphore_mem>>
          %dma_wait3A_551 = arith.constant 0 : i32
          %dma_wait3A_552 = arith.constant 0 : i32
          %dma_wait3A_553 = tpu.memref_slice %arg4[%dma_wait3A_551, %dma_wait3A_552] : memref<819200x64xf32, #tpu.memory_space<hbm>> -> memref<512x64xf32, #tpu.memory_space<hbm>>
          %dma_wait3A_554 = arith.constant 0 : i32
          %dma_wait3A_555 = arith.constant 0 : i32
          %dma_wait3A_556 = tpu.memref_slice %arg6[%select_n3A_269, %dma_wait3A_554, %dma_wait3A_555] : memref<3x512x64xf32, #tpu.memory_space<vmem>> -> memref<1x512x64xf32, #tpu.memory_space<vmem>>
          %dma_wait3A_557 = tpu.memref_squeeze %dma_wait3A_556 : memref<1x512x64xf32, #tpu.memory_space<vmem>> -> memref<512x64xf32, #tpu.memory_space<vmem>>
          tpu.wait_dma2 semaphore(%dma_wait3A_550 : memref<!tpu.dma_semaphore, #tpu.memory_space<semaphore_mem>>) src(%dma_wait3A_557 : memref<512x64xf32, #tpu.memory_space<vmem>>) dst(%dma_wait3A_553 : memref<512x64xf32, #tpu.memory_space<hbm>>)
        } else {
        }
        %add3A_377 = arith.constant 2 : i32
        %add3A_378 = arith.addi %scan3A_242, %add3A_377 : i32
        %jit3A_379 = arith.constant 2 : i32
        %div3A = arith.divsi %add3A_378, %jit3A_379 : i32
        %sign3A = arith.constant 0 : i32
        %sign3A_380 = arith.cmpi sgt, %add3A_378, %sign3A : i32
        %sign3A_381 = arith.extui %sign3A_380 : i1 to i32
        %sign3A_382 = arith.constant 0 : i32
        %sign3A_383 = arith.cmpi slt, %add3A_378, %sign3A_382 : i32
        %sign3A_384 = arith.extui %sign3A_383 : i1 to i32
        %sign3A_385 = arith.subi %sign3A_381, %sign3A_384 : i32
        %sign3A_386 = arith.constant 0 : i32
        %sign3A_387 = arith.cmpi sgt, %jit3A_379, %sign3A_386 : i32
        %sign3A_388 = arith.extui %sign3A_387 : i1 to i32
        %sign3A_389 = arith.constant 0 : i32
        %sign3A_390 = arith.cmpi slt, %jit3A_379, %sign3A_389 : i32
        %sign3A_391 = arith.extui %sign3A_390 : i1 to i32
        %sign3A_392 = arith.subi %sign3A_388, %sign3A_391 : i32
        %ne3A_393 = arith.cmpi ne, %sign3A_385, %sign3A_392 : i32
        %rem3A_394 = arith.remsi %add3A_378, %jit3A_379 : i32
        %ne3A_395 = arith.constant 0 : i32
        %ne3A_396 = arith.cmpi ne, %rem3A_394, %ne3A_395 : i32
        %and3A_397 = arith.andi %ne3A_393, %ne3A_396 : i1
        %sub3A = arith.constant 1 : i32
        %sub3A_398 = arith.subi %div3A, %sub3A : i32
        %select_n3A_399 = arith.select %and3A_397, %sub3A_398, %div3A : i32
        %jit3A_400 = arith.constant 2 : i32
        %eq3A_401 = arith.constant 0 : i32
        %eq3A_402 = arith.cmpi eq, %jit3A_400, %eq3A_401 : i32
        %jit3A_403 = arith.constant 1 : i32
        %select_n3A_404 = arith.select %eq3A_402, %jit3A_403, %jit3A_400 : i32
        %rem3A_405 = arith.remsi %select_n3A_399, %select_n3A_404 : i32
        %ne3A_406 = arith.constant 0 : i32
        %ne3A_407 = arith.cmpi ne, %rem3A_405, %ne3A_406 : i32
        %lt3A_408 = arith.constant 0 : i32
        %lt3A_409 = arith.cmpi slt, %rem3A_405, %lt3A_408 : i32
        %lt3A_410 = arith.constant 0 : i32
        %lt3A_411 = arith.cmpi slt, %select_n3A_404, %lt3A_410 : i32
        %ne3A_412 = arith.xori %lt3A_409, %lt3A_411 : i1
        %and3A_413 = arith.andi %ne3A_412, %ne3A_407 : i1
        %add3A_414 = arith.addi %rem3A_405, %select_n3A_404 : i32
        %select_n3A_415 = arith.select %and3A_413, %add3A_414, %rem3A_405 : i32
        %jit3A_416 = arith.constant 2 : i32
        %eq3A_417 = arith.constant 0 : i32
        %eq3A_418 = arith.cmpi eq, %jit3A_416, %eq3A_417 : i32
        %jit3A_419 = arith.constant 1 : i32
        %select_n3A_420 = arith.select %eq3A_418, %jit3A_419, %jit3A_416 : i32
        %rem3A_421 = arith.remsi %add3A_378, %select_n3A_420 : i32
        %ne3A_422 = arith.constant 0 : i32
        %ne3A_423 = arith.cmpi ne, %rem3A_421, %ne3A_422 : i32
        %lt3A_424 = arith.constant 0 : i32
        %lt3A_425 = arith.cmpi slt, %rem3A_421, %lt3A_424 : i32
        %lt3A_426 = arith.constant 0 : i32
        %lt3A_427 = arith.cmpi slt, %select_n3A_420, %lt3A_426 : i32
        %ne3A_428 = arith.xori %lt3A_425, %lt3A_427 : i1
        %and3A_429 = arith.andi %ne3A_428, %ne3A_423 : i1
        %add3A_430 = arith.addi %rem3A_421, %select_n3A_420 : i32
        %select_n3A_431 = arith.select %and3A_429, %add3A_430, %rem3A_421 : i32
        %mul3A_432 = arith.constant 4 : i32
        %mul3A_433 = arith.muli %select_n3A_431, %mul3A_432 : i32
        %add3A_434 = arith.constant 0 : i32
        %add3A_435 = arith.addi %mul3A_433, %add3A_434 : i32
        %dma_start3A_436 = arith.constant 0 : i32
        %dma_start3A_437 = arith.constant 0 : i32
        %dma_start3A_438 = tpu.memref_slice %arg6[%select_n3A_269, %dma_start3A_436, %dma_start3A_437] : memref<3x512x64xf32, #tpu.memory_space<vmem>> -> memref<1x128x64xf32, #tpu.memory_space<vmem>>
        %dma_start3A_439 = tpu.memref_squeeze %dma_start3A_438 : memref<1x128x64xf32, #tpu.memory_space<vmem>> -> memref<128x64xf32, #tpu.memory_space<vmem>>
        %dma_start3A_440 = arith.constant 0 : i32
        %dma_start3A_441 = tpu.memref_slice %arg5[%select_n3A_415, %add3A_435, %dma_start3A_440] : memref<2x8x128xi32, #tpu.memory_space<vmem>> -> memref<1x1x128xi32, #tpu.memory_space<vmem>>
        %dma_start3A_442 = tpu.memref_squeeze %dma_start3A_441 : memref<1x1x128xi32, #tpu.memory_space<vmem>> -> memref<128xi32, #tpu.memory_space<vmem>>
        %dma_start3A_443 = arith.constant 0 : i32
        %dma_start3A_444 = arith.constant 0 : i32
        %dma_start3A_445 = tpu.memref_slice %arg3[%dma_start3A_443, %dma_start3A_444] : memref<1000000x64xf32, #tpu.memory_space<hbm>> -> memref<1000000x64xf32, #tpu.memory_space<hbm>>
        %dma_start3A_446 = tpu.memref_slice %arg7[%select_n3A_269] : memref<3x!tpu.dma_semaphore, #tpu.memory_space<semaphore_mem>> -> memref<1x!tpu.dma_semaphore, #tpu.memory_space<semaphore_mem>>
        %dma_start3A_447 = tpu.memref_squeeze %dma_start3A_446 : memref<1x!tpu.dma_semaphore, #tpu.memory_space<semaphore_mem>> -> memref<!tpu.dma_semaphore, #tpu.memory_space<semaphore_mem>>
        tpu.enqueue_indirect_dma source(%dma_start3A_445 : memref<1000000x64xf32, #tpu.memory_space<hbm>>) target(%dma_start3A_439 : memref<128x64xf32, #tpu.memory_space<vmem>>) offsets(%dma_start3A_442 : memref<128xi32, #tpu.memory_space<vmem>>) semaphore(%dma_start3A_447 : memref<!tpu.dma_semaphore, #tpu.memory_space<semaphore_mem>>)
        %add3A_448 = arith.constant 1 : i32
        %add3A_449 = arith.addi %mul3A_433, %add3A_448 : i32
        %dma_start3A_450 = arith.constant 128 : i32
        %dma_start3A_451 = arith.constant 0 : i32
        %dma_start3A_452 = tpu.memref_slice %arg6[%select_n3A_269, %dma_start3A_450, %dma_start3A_451] : memref<3x512x64xf32, #tpu.memory_space<vmem>> -> memref<1x128x64xf32, #tpu.memory_space<vmem>>
        %dma_start3A_453 = tpu.memref_squeeze %dma_start3A_452 : memref<1x128x64xf32, #tpu.memory_space<vmem>> -> memref<128x64xf32, #tpu.memory_space<vmem>>
        %dma_start3A_454 = arith.constant 0 : i32
        %dma_start3A_455 = tpu.memref_slice %arg5[%select_n3A_415, %add3A_449, %dma_start3A_454] : memref<2x8x128xi32, #tpu.memory_space<vmem>> -> memref<1x1x128xi32, #tpu.memory_space<vmem>>
        %dma_start3A_456 = tpu.memref_squeeze %dma_start3A_455 : memref<1x1x128xi32, #tpu.memory_space<vmem>> -> memref<128xi32, #tpu.memory_space<vmem>>
        %dma_start3A_457 = arith.constant 0 : i32
        %dma_start3A_458 = arith.constant 0 : i32
        %dma_start3A_459 = tpu.memref_slice %arg3[%dma_start3A_457, %dma_start3A_458] : memref<1000000x64xf32, #tpu.memory_space<hbm>> -> memref<1000000x64xf32, #tpu.memory_space<hbm>>
        %dma_start3A_460 = tpu.memref_slice %arg7[%select_n3A_269] : memref<3x!tpu.dma_semaphore, #tpu.memory_space<semaphore_mem>> -> memref<1x!tpu.dma_semaphore, #tpu.memory_space<semaphore_mem>>
        %dma_start3A_461 = tpu.memref_squeeze %dma_start3A_460 : memref<1x!tpu.dma_semaphore, #tpu.memory_space<semaphore_mem>> -> memref<!tpu.dma_semaphore, #tpu.memory_space<semaphore_mem>>
        tpu.enqueue_indirect_dma source(%dma_start3A_459 : memref<1000000x64xf32, #tpu.memory_space<hbm>>) target(%dma_start3A_453 : memref<128x64xf32, #tpu.memory_space<vmem>>) offsets(%dma_start3A_456 : memref<128xi32, #tpu.memory_space<vmem>>) semaphore(%dma_start3A_461 : memref<!tpu.dma_semaphore, #tpu.memory_space<semaphore_mem>>)
        %add3A_462 = arith.constant 2 : i32
        %add3A_463 = arith.addi %mul3A_433, %add3A_462 : i32
        %dma_start3A_464 = arith.constant 256 : i32
        %dma_start3A_465 = arith.constant 0 : i32
        %dma_start3A_466 = tpu.memref_slice %arg6[%select_n3A_269, %dma_start3A_464, %dma_start3A_465] : memref<3x512x64xf32, #tpu.memory_space<vmem>> -> memref<1x128x64xf32, #tpu.memory_space<vmem>>
        %dma_start3A_467 = tpu.memref_squeeze %dma_start3A_466 : memref<1x128x64xf32, #tpu.memory_space<vmem>> -> memref<128x64xf32, #tpu.memory_space<vmem>>
        %dma_start3A_468 = arith.constant 0 : i32
        %dma_start3A_469 = tpu.memref_slice %arg5[%select_n3A_415, %add3A_463, %dma_start3A_468] : memref<2x8x128xi32, #tpu.memory_space<vmem>> -> memref<1x1x128xi32, #tpu.memory_space<vmem>>
        %dma_start3A_470 = tpu.memref_squeeze %dma_start3A_469 : memref<1x1x128xi32, #tpu.memory_space<vmem>> -> memref<128xi32, #tpu.memory_space<vmem>>
        %dma_start3A_471 = arith.constant 0 : i32
        %dma_start3A_472 = arith.constant 0 : i32
        %dma_start3A_473 = tpu.memref_slice %arg3[%dma_start3A_471, %dma_start3A_472] : memref<1000000x64xf32, #tpu.memory_space<hbm>> -> memref<1000000x64xf32, #tpu.memory_space<hbm>>
        %dma_start3A_474 = tpu.memref_slice %arg7[%select_n3A_269] : memref<3x!tpu.dma_semaphore, #tpu.memory_space<semaphore_mem>> -> memref<1x!tpu.dma_semaphore, #tpu.memory_space<semaphore_mem>>
        %dma_start3A_475 = tpu.memref_squeeze %dma_start3A_474 : memref<1x!tpu.dma_semaphore, #tpu.memory_space<semaphore_mem>> -> memref<!tpu.dma_semaphore, #tpu.memory_space<semaphore_mem>>
        tpu.enqueue_indirect_dma source(%dma_start3A_473 : memref<1000000x64xf32, #tpu.memory_space<hbm>>) target(%dma_start3A_467 : memref<128x64xf32, #tpu.memory_space<vmem>>) offsets(%dma_start3A_470 : memref<128xi32, #tpu.memory_space<vmem>>) semaphore(%dma_start3A_475 : memref<!tpu.dma_semaphore, #tpu.memory_space<semaphore_mem>>)
        %add3A_476 = arith.constant 3 : i32
        %add3A_477 = arith.addi %mul3A_433, %add3A_476 : i32
        %dma_start3A_478 = arith.constant 384 : i32
        %dma_start3A_479 = arith.constant 0 : i32
        %dma_start3A_480 = tpu.memref_slice %arg6[%select_n3A_269, %dma_start3A_478, %dma_start3A_479] : memref<3x512x64xf32, #tpu.memory_space<vmem>> -> memref<1x128x64xf32, #tpu.memory_space<vmem>>
        %dma_start3A_481 = tpu.memref_squeeze %dma_start3A_480 : memref<1x128x64xf32, #tpu.memory_space<vmem>> -> memref<128x64xf32, #tpu.memory_space<vmem>>
        %dma_start3A_482 = arith.constant 0 : i32
        %dma_start3A_483 = tpu.memref_slice %arg5[%select_n3A_415, %add3A_477, %dma_start3A_482] : memref<2x8x128xi32, #tpu.memory_space<vmem>> -> memref<1x1x128xi32, #tpu.memory_space<vmem>>
        %dma_start3A_484 = tpu.memref_squeeze %dma_start3A_483 : memref<1x1x128xi32, #tpu.memory_space<vmem>> -> memref<128xi32, #tpu.memory_space<vmem>>
        %dma_start3A_485 = arith.constant 0 : i32
        %dma_start3A_486 = arith.constant 0 : i32
        %dma_start3A_487 = tpu.memref_slice %arg3[%dma_start3A_485, %dma_start3A_486] : memref<1000000x64xf32, #tpu.memory_space<hbm>> -> memref<1000000x64xf32, #tpu.memory_space<hbm>>
        %dma_start3A_488 = tpu.memref_slice %arg7[%select_n3A_269] : memref<3x!tpu.dma_semaphore, #tpu.memory_space<semaphore_mem>> -> memref<1x!tpu.dma_semaphore, #tpu.memory_space<semaphore_mem>>
        %dma_start3A_489 = tpu.memref_squeeze %dma_start3A_488 : memref<1x!tpu.dma_semaphore, #tpu.memory_space<semaphore_mem>> -> memref<!tpu.dma_semaphore, #tpu.memory_space<semaphore_mem>>
        tpu.enqueue_indirect_dma source(%dma_start3A_487 : memref<1000000x64xf32, #tpu.memory_space<hbm>>) target(%dma_start3A_481 : memref<128x64xf32, #tpu.memory_space<vmem>>) offsets(%dma_start3A_484 : memref<128xi32, #tpu.memory_space<vmem>>) semaphore(%dma_start3A_489 : memref<!tpu.dma_semaphore, #tpu.memory_space<semaphore_mem>>)
        %add3A_490 = arith.constant 2 : i32
        %add3A_491 = arith.addi %scan3A_242, %add3A_490 : i32
        %jit3A_492 = arith.constant 2 : i32
        %eq3A_493 = arith.constant 0 : i32
        %eq3A_494 = arith.cmpi eq, %jit3A_492, %eq3A_493 : i32
        %jit3A_495 = arith.constant 1 : i32
        %select_n3A_496 = arith.select %eq3A_494, %jit3A_495, %jit3A_492 : i32
        %rem3A_497 = arith.remsi %add3A_491, %select_n3A_496 : i32
        %ne3A_498 = arith.constant 0 : i32
        %ne3A_499 = arith.cmpi ne, %rem3A_497, %ne3A_498 : i32
        %lt3A_500 = arith.constant 0 : i32
        %lt3A_501 = arith.cmpi slt, %rem3A_497, %lt3A_500 : i32
        %lt3A_502 = arith.constant 0 : i32
        %lt3A_503 = arith.cmpi slt, %select_n3A_496, %lt3A_502 : i32
        %ne3A_504 = arith.xori %lt3A_501, %lt3A_503 : i1
        %and3A_505 = arith.andi %ne3A_504, %ne3A_499 : i1
        %add3A_506 = arith.addi %rem3A_497, %select_n3A_496 : i32
        %select_n3A_507 = arith.select %and3A_505, %add3A_506, %rem3A_497 : i32
        %eq3A_508 = arith.constant 1 : i32
        %eq3A_509 = arith.cmpi eq, %select_n3A_507, %eq3A_508 : i32
        %add3A_510 = arith.constant 3 : i32
        %add3A_511 = arith.addi %scan3A_242, %add3A_510 : i32
        %jit3A_512 = arith.constant 2 : i32
        %div3A_513 = arith.divsi %add3A_511, %jit3A_512 : i32
        %sign3A_514 = arith.constant 0 : i32
        %sign3A_515 = arith.cmpi sgt, %add3A_511, %sign3A_514 : i32
        %sign3A_516 = arith.extui %sign3A_515 : i1 to i32
        %sign3A_517 = arith.constant 0 : i32
        %sign3A_518 = arith.cmpi slt, %add3A_511, %sign3A_517 : i32
        %sign3A_519 = arith.extui %sign3A_518 : i1 to i32
        %sign3A_520 = arith.subi %sign3A_516, %sign3A_519 : i32
        %sign3A_521 = arith.constant 0 : i32
        %sign3A_522 = arith.cmpi sgt, %jit3A_512, %sign3A_521 : i32
        %sign3A_523 = arith.extui %sign3A_522 : i1 to i32
        %sign3A_524 = arith.constant 0 : i32
        %sign3A_525 = arith.cmpi slt, %jit3A_512, %sign3A_524 : i32
        %sign3A_526 = arith.extui %sign3A_525 : i1 to i32
        %sign3A_527 = arith.subi %sign3A_523, %sign3A_526 : i32
        %ne3A_528 = arith.cmpi ne, %sign3A_520, %sign3A_527 : i32
        %rem3A_529 = arith.remsi %add3A_511, %jit3A_512 : i32
        %ne3A_530 = arith.constant 0 : i32
        %ne3A_531 = arith.cmpi ne, %rem3A_529, %ne3A_530 : i32
        %and3A_532 = arith.andi %ne3A_528, %ne3A_531 : i1
        %sub3A_533 = arith.constant 1 : i32
        %sub3A_534 = arith.subi %div3A_513, %sub3A_533 : i32
        %select_n3A_535 = arith.select %and3A_532, %sub3A_534, %div3A_513 : i32
        %lt3A_536 = arith.constant 25 : i32
        %lt3A_537 = arith.cmpi slt, %select_n3A_535, %lt3A_536 : i32
        %and3A_538 = arith.andi %eq3A_509, %lt3A_537 : i1
        %convert_element_type3A_539 = arith.extui %and3A_538 : i1 to i32
        %cond3A_540 = arith.constant 0 : i32
        %cond3A_541 = arith.cmpi ne, %convert_element_type3A_539, %cond3A_540 : i32
        scf.if %cond3A_541 {
          %add3A_542 = arith.constant 3 : i32
          %add3A_543 = arith.addi %scan3A_242, %add3A_542 : i32
          %jit3A_544 = arith.constant 2 : i32
          %div3A_545 = arith.divsi %add3A_543, %jit3A_544 : i32
          %sign3A_546 = arith.constant 0 : i32
          %sign3A_547 = arith.cmpi sgt, %add3A_543, %sign3A_546 : i32
          %sign3A_548 = arith.extui %sign3A_547 : i1 to i32
          %sign3A_549 = arith.constant 0 : i32
          %sign3A_550 = arith.cmpi slt, %add3A_543, %sign3A_549 : i32
          %sign3A_551 = arith.extui %sign3A_550 : i1 to i32
          %sign3A_552 = arith.subi %sign3A_548, %sign3A_551 : i32
          %sign3A_553 = arith.constant 0 : i32
          %sign3A_554 = arith.cmpi sgt, %jit3A_544, %sign3A_553 : i32
          %sign3A_555 = arith.extui %sign3A_554 : i1 to i32
          %sign3A_556 = arith.constant 0 : i32
          %sign3A_557 = arith.cmpi slt, %jit3A_544, %sign3A_556 : i32
          %sign3A_558 = arith.extui %sign3A_557 : i1 to i32
          %sign3A_559 = arith.subi %sign3A_555, %sign3A_558 : i32
          %ne3A_560 = arith.cmpi ne, %sign3A_552, %sign3A_559 : i32
          %rem3A_561 = arith.remsi %add3A_543, %jit3A_544 : i32
          %ne3A_562 = arith.constant 0 : i32
          %ne3A_563 = arith.cmpi ne, %rem3A_561, %ne3A_562 : i32
          %and3A_564 = arith.andi %ne3A_560, %ne3A_563 : i1
          %sub3A_565 = arith.constant 1 : i32
          %sub3A_566 = arith.subi %div3A_545, %sub3A_565 : i32
          %select_n3A_567 = arith.select %and3A_564, %sub3A_566, %div3A_545 : i32
          %mul3A_568 = arith.constant 8 : i32
          %mul3A_569 = arith.muli %select_n3A_567, %mul3A_568 : i32
          %add3A_570 = arith.addi %mul3A_2, %mul3A_569 : i32
          %jit3A_571 = arith.constant 2 : i32
          %eq3A_572 = arith.constant 0 : i32
          %eq3A_573 = arith.cmpi eq, %jit3A_571, %eq3A_572 : i32
          %jit3A_574 = arith.constant 1 : i32
          %select_n3A_575 = arith.select %eq3A_573, %jit3A_574, %jit3A_571 : i32
          %rem3A_576 = arith.remsi %select_n3A_567, %select_n3A_575 : i32
          %ne3A_577 = arith.constant 0 : i32
          %ne3A_578 = arith.cmpi ne, %rem3A_576, %ne3A_577 : i32
          %lt3A_579 = arith.constant 0 : i32
          %lt3A_580 = arith.cmpi slt, %rem3A_576, %lt3A_579 : i32
          %lt3A_581 = arith.constant 0 : i32
          %lt3A_582 = arith.cmpi slt, %select_n3A_575, %lt3A_581 : i32
          %ne3A_583 = arith.xori %lt3A_580, %lt3A_582 : i1
          %and3A_584 = arith.andi %ne3A_583, %ne3A_578 : i1
          %add3A_585 = arith.addi %rem3A_576, %select_n3A_575 : i32
          %select_n3A_586 = arith.select %and3A_584, %add3A_585, %rem3A_576 : i32
          %jit3A_587 = arith.constant 2 : i32
          %eq3A_588 = arith.constant 0 : i32
          %eq3A_589 = arith.cmpi eq, %jit3A_587, %eq3A_588 : i32
          %jit3A_590 = arith.constant 1 : i32
          %select_n3A_591 = arith.select %eq3A_589, %jit3A_590, %jit3A_587 : i32
          %rem3A_592 = arith.remsi %select_n3A_567, %select_n3A_591 : i32
          %ne3A_593 = arith.constant 0 : i32
          %ne3A_594 = arith.cmpi ne, %rem3A_592, %ne3A_593 : i32
          %lt3A_595 = arith.constant 0 : i32
          %lt3A_596 = arith.cmpi slt, %rem3A_592, %lt3A_595 : i32
          %lt3A_597 = arith.constant 0 : i32
          %lt3A_598 = arith.cmpi slt, %select_n3A_591, %lt3A_597 : i32
          %ne3A_599 = arith.xori %lt3A_596, %lt3A_598 : i1
          %and3A_600 = arith.andi %ne3A_599, %ne3A_594 : i1
          %add3A_601 = arith.addi %rem3A_592, %select_n3A_591 : i32
          %select_n3A_602 = arith.select %and3A_600, %add3A_601, %rem3A_592 : i32
          %dma_start3A_603 = arith.constant 0 : i32
          %dma_start3A_604 = arith.constant 0 : i32
          %dma_start3A_605 = tpu.memref_slice %arg5[%select_n3A_586, %dma_start3A_603, %dma_start3A_604] : memref<2x8x128xi32, #tpu.memory_space<vmem>> -> memref<1x8x128xi32, #tpu.memory_space<vmem>>
          %dma_start3A_606 = tpu.memref_squeeze %dma_start3A_605 : memref<1x8x128xi32, #tpu.memory_space<vmem>> -> memref<8x128xi32, #tpu.memory_space<vmem>>
          %dma_start3A_607 = arith.constant 0 : i32
          %dma_start3A_608 = tpu.memref_slice %arg2[%add3A_570, %dma_start3A_607] : memref<6400x128xi32, #tpu.memory_space<hbm>> -> memref<8x128xi32, #tpu.memory_space<hbm>>
          %dma_start3A_609 = tpu.memref_slice %arg9[%select_n3A_602] : memref<2x!tpu.dma_semaphore, #tpu.memory_space<semaphore_mem>> -> memref<1x!tpu.dma_semaphore, #tpu.memory_space<semaphore_mem>>
          %dma_start3A_610 = tpu.memref_squeeze %dma_start3A_609 : memref<1x!tpu.dma_semaphore, #tpu.memory_space<semaphore_mem>> -> memref<!tpu.dma_semaphore, #tpu.memory_space<semaphore_mem>>
          %dma_start3A_611 = arith.constant 0 : i32
          %dma_start3A_612 = arith.constant 0 : i32
          %dma_start3A_613 = tpu.memref_slice %arg5[%select_n3A_586, %dma_start3A_611, %dma_start3A_612] : memref<2x8x128xi32, #tpu.memory_space<vmem>> -> memref<1x8x128xi32, #tpu.memory_space<vmem>>
          %dma_start3A_614 = tpu.memref_squeeze %dma_start3A_613 : memref<1x8x128xi32, #tpu.memory_space<vmem>> -> memref<8x128xi32, #tpu.memory_space<vmem>>
          %dma_start3A_615 = arith.constant 0 : i32
          %dma_start3A_616 = tpu.memref_slice %arg2[%add3A_570, %dma_start3A_615] : memref<6400x128xi32, #tpu.memory_space<hbm>> -> memref<8x128xi32, #tpu.memory_space<hbm>>
          tpu.enqueue_dma source(%dma_start3A_616 : memref<8x128xi32, #tpu.memory_space<hbm>>) target(%dma_start3A_614 : memref<8x128xi32, #tpu.memory_space<vmem>>) target_semaphore(%dma_start3A_610 : memref<!tpu.dma_semaphore, #tpu.memory_space<semaphore_mem>>)
        } else {
        }
      } else {
      }
      %mul3A_331 = arith.constant 128 : i32
      %mul3A_332 = arith.muli %mul3A_2, %mul3A_331 : i32
      %mul3A_333 = arith.constant 512 : i32
      %mul3A_334 = arith.muli %scan3A_242, %mul3A_333 : i32
      %add3A_335 = arith.addi %mul3A_332, %mul3A_334 : i32
      %dma_start3A_336 = arith.constant 0 : i32
      %dma_start3A_337 = arith.constant 0 : i32
      %dma_start3A_338 = tpu.memref_slice %arg6[%select_n3A_251, %dma_start3A_336, %dma_start3A_337] : memref<3x512x64xf32, #tpu.memory_space<vmem>> -> memref<1x512x64xf32, #tpu.memory_space<vmem>>
      %dma_start3A_339 = tpu.memref_squeeze %dma_start3A_338 : memref<1x512x64xf32, #tpu.memory_space<vmem>> -> memref<512x64xf32, #tpu.memory_space<vmem>>
      %dma_start3A_340 = arith.constant 0 : i32
      %dma_start3A_341 = tpu.memref_slice %arg4[%add3A_335, %dma_start3A_340] : memref<819200x64xf32, #tpu.memory_space<hbm>> -> memref<512x64xf32, #tpu.memory_space<hbm>>
      %dma_start3A_342 = tpu.memref_slice %arg8[%select_n3A_251] : memref<3x!tpu.dma_semaphore, #tpu.memory_space<semaphore_mem>> -> memref<1x!tpu.dma_semaphore, #tpu.memory_space<semaphore_mem>>
      %dma_start3A_343 = tpu.memref_squeeze %dma_start3A_342 : memref<1x!tpu.dma_semaphore, #tpu.memory_space<semaphore_mem>> -> memref<!tpu.dma_semaphore, #tpu.memory_space<semaphore_mem>>
      %dma_start3A_344 = arith.constant 0 : i32
      %dma_start3A_345 = tpu.memref_slice %arg4[%add3A_335, %dma_start3A_344] : memref<819200x64xf32, #tpu.memory_space<hbm>> -> memref<512x64xf32, #tpu.memory_space<hbm>>
      %dma_start3A_346 = arith.constant 0 : i32
      %dma_start3A_347 = arith.constant 0 : i32
      %dma_start3A_348 = tpu.memref_slice %arg6[%select_n3A_251, %dma_start3A_346, %dma_start3A_347] : memref<3x512x64xf32, #tpu.memory_space<vmem>> -> memref<1x512x64xf32, #tpu.memory_space<vmem>>
      %dma_start3A_349 = tpu.memref_squeeze %dma_start3A_348 : memref<1x512x64xf32, #tpu.memory_space<vmem>> -> memref<512x64xf32, #tpu.memory_space<vmem>>
      tpu.enqueue_dma source(%dma_start3A_349 : memref<512x64xf32, #tpu.memory_space<vmem>>) target(%dma_start3A_345 : memref<512x64xf32, #tpu.memory_space<hbm>>) target_semaphore(%dma_start3A_343 : memref<!tpu.dma_semaphore, #tpu.memory_space<semaphore_mem>>)
    }
    %scan3A_187 = arith.constant 50 : i32
    %dma_wait3A_188 = arith.constant 0 : i32
    %dma_wait3A_189 = arith.constant 0 : i32
    %dma_wait3A_190 = arith.constant 0 : i32
    %dma_wait3A_191 = arith.constant 0 : i32
    %dma_wait3A_192 = tpu.memref_slice %arg6[%dma_wait3A_188, %dma_wait3A_190, %dma_wait3A_191] : memref<3x512x64xf32, #tpu.memory_space<vmem>> -> memref<1x512x64xf32, #tpu.memory_space<vmem>>
    %dma_wait3A_193 = tpu.memref_squeeze %dma_wait3A_192 : memref<1x512x64xf32, #tpu.memory_space<vmem>> -> memref<512x64xf32, #tpu.memory_space<vmem>>
    %dma_wait3A_194 = arith.constant 0 : i32
    %dma_wait3A_195 = arith.constant 0 : i32
    %dma_wait3A_196 = tpu.memref_slice %arg4[%dma_wait3A_194, %dma_wait3A_195] : memref<819200x64xf32, #tpu.memory_space<hbm>> -> memref<512x64xf32, #tpu.memory_space<hbm>>
    %dma_wait3A_197 = tpu.memref_slice %arg8[%dma_wait3A_189] : memref<3x!tpu.dma_semaphore, #tpu.memory_space<semaphore_mem>> -> memref<1x!tpu.dma_semaphore, #tpu.memory_space<semaphore_mem>>
    %dma_wait3A_198 = tpu.memref_squeeze %dma_wait3A_197 : memref<1x!tpu.dma_semaphore, #tpu.memory_space<semaphore_mem>> -> memref<!tpu.dma_semaphore, #tpu.memory_space<semaphore_mem>>
    %dma_wait3A_199 = arith.constant 0 : i32
    %dma_wait3A_200 = arith.constant 0 : i32
    %dma_wait3A_201 = tpu.memref_slice %arg4[%dma_wait3A_199, %dma_wait3A_200] : memref<819200x64xf32, #tpu.memory_space<hbm>> -> memref<512x64xf32, #tpu.memory_space<hbm>>
    %dma_wait3A_202 = arith.constant 0 : i32
    %dma_wait3A_203 = arith.constant 0 : i32
    %dma_wait3A_204 = tpu.memref_slice %arg6[%dma_wait3A_188, %dma_wait3A_202, %dma_wait3A_203] : memref<3x512x64xf32, #tpu.memory_space<vmem>> -> memref<1x512x64xf32, #tpu.memory_space<vmem>>
    %dma_wait3A_205 = tpu.memref_squeeze %dma_wait3A_204 : memref<1x512x64xf32, #tpu.memory_space<vmem>> -> memref<512x64xf32, #tpu.memory_space<vmem>>
    tpu.wait_dma2 semaphore(%dma_wait3A_198 : memref<!tpu.dma_semaphore, #tpu.memory_space<semaphore_mem>>) src(%dma_wait3A_205 : memref<512x64xf32, #tpu.memory_space<vmem>>) dst(%dma_wait3A_201 : memref<512x64xf32, #tpu.memory_space<hbm>>)
    %dma_wait3A_206 = arith.constant 1 : i32
    %dma_wait3A_207 = arith.constant 1 : i32
    %dma_wait3A_208 = arith.constant 0 : i32
    %dma_wait3A_209 = arith.constant 0 : i32
    %dma_wait3A_210 = tpu.memref_slice %arg6[%dma_wait3A_206, %dma_wait3A_208, %dma_wait3A_209] : memref<3x512x64xf32, #tpu.memory_space<vmem>> -> memref<1x512x64xf32, #tpu.memory_space<vmem>>
    %dma_wait3A_211 = tpu.memref_squeeze %dma_wait3A_210 : memref<1x512x64xf32, #tpu.memory_space<vmem>> -> memref<512x64xf32, #tpu.memory_space<vmem>>
    %dma_wait3A_212 = arith.constant 0 : i32
    %dma_wait3A_213 = arith.constant 0 : i32
    %dma_wait3A_214 = tpu.memref_slice %arg4[%dma_wait3A_212, %dma_wait3A_213] : memref<819200x64xf32, #tpu.memory_space<hbm>> -> memref<512x64xf32, #tpu.memory_space<hbm>>
    %dma_wait3A_215 = tpu.memref_slice %arg8[%dma_wait3A_207] : memref<3x!tpu.dma_semaphore, #tpu.memory_space<semaphore_mem>> -> memref<1x!tpu.dma_semaphore, #tpu.memory_space<semaphore_mem>>
    %dma_wait3A_216 = tpu.memref_squeeze %dma_wait3A_215 : memref<1x!tpu.dma_semaphore, #tpu.memory_space<semaphore_mem>> -> memref<!tpu.dma_semaphore, #tpu.memory_space<semaphore_mem>>
    %dma_wait3A_217 = arith.constant 0 : i32
    %dma_wait3A_218 = arith.constant 0 : i32
    %dma_wait3A_219 = tpu.memref_slice %arg4[%dma_wait3A_217, %dma_wait3A_218] : memref<819200x64xf32, #tpu.memory_space<hbm>> -> memref<512x64xf32, #tpu.memory_space<hbm>>
    %dma_wait3A_220 = arith.constant 0 : i32
    %dma_wait3A_221 = arith.constant 0 : i32
    %dma_wait3A_222 = tpu.memref_slice %arg6[%dma_wait3A_206, %dma_wait3A_220, %dma_wait3A_221] : memref<3x512x64xf32, #tpu.memory_space<vmem>> -> memref<1x512x64xf32, #tpu.memory_space<vmem>>
    %dma_wait3A_223 = tpu.memref_squeeze %dma_wait3A_222 : memref<1x512x64xf32, #tpu.memory_space<vmem>> -> memref<512x64xf32, #tpu.memory_space<vmem>>
    tpu.wait_dma2 semaphore(%dma_wait3A_216 : memref<!tpu.dma_semaphore, #tpu.memory_space<semaphore_mem>>) src(%dma_wait3A_223 : memref<512x64xf32, #tpu.memory_space<vmem>>) dst(%dma_wait3A_219 : memref<512x64xf32, #tpu.memory_space<hbm>>)
    %dma_wait3A_224 = arith.constant 2 : i32
    %dma_wait3A_225 = arith.constant 2 : i32
    %dma_wait3A_226 = arith.constant 0 : i32
    %dma_wait3A_227 = arith.constant 0 : i32
    %dma_wait3A_228 = tpu.memref_slice %arg6[%dma_wait3A_224, %dma_wait3A_226, %dma_wait3A_227] : memref<3x512x64xf32, #tpu.memory_space<vmem>> -> memref<1x512x64xf32, #tpu.memory_space<vmem>>
    %dma_wait3A_229 = tpu.memref_squeeze %dma_wait3A_228 : memref<1x512x64xf32, #tpu.memory_space<vmem>> -> memref<512x64xf32, #tpu.memory_space<vmem>>
    %dma_wait3A_230 = arith.constant 0 : i32
    %dma_wait3A_231 = arith.constant 0 : i32
    %dma_wait3A_232 = tpu.memref_slice %arg4[%dma_wait3A_230, %dma_wait3A_231] : memref<819200x64xf32, #tpu.memory_space<hbm>> -> memref<512x64xf32, #tpu.memory_space<hbm>>
    %dma_wait3A_233 = tpu.memref_slice %arg8[%dma_wait3A_225] : memref<3x!tpu.dma_semaphore, #tpu.memory_space<semaphore_mem>> -> memref<1x!tpu.dma_semaphore, #tpu.memory_space<semaphore_mem>>
    %dma_wait3A_234 = tpu.memref_squeeze %dma_wait3A_233 : memref<1x!tpu.dma_semaphore, #tpu.memory_space<semaphore_mem>> -> memref<!tpu.dma_semaphore, #tpu.memory_space<semaphore_mem>>
    %dma_wait3A_235 = arith.constant 0 : i32
    %dma_wait3A_236 = arith.constant 0 : i32
    %dma_wait3A_237 = tpu.memref_slice %arg4[%dma_wait3A_235, %dma_wait3A_236] : memref<819200x64xf32, #tpu.memory_space<hbm>> -> memref<512x64xf32, #tpu.memory_space<hbm>>
    %dma_wait3A_238 = arith.constant 0 : i32
    %dma_wait3A_239 = arith.constant 0 : i32
    %dma_wait3A_240 = tpu.memref_slice %arg6[%dma_wait3A_224, %dma_wait3A_238, %dma_wait3A_239] : memref<3x512x64xf32, #tpu.memory_space<vmem>> -> memref<1x512x64xf32, #tpu.memory_space<vmem>>
    %dma_wait3A_241 = tpu.memref_squeeze %dma_wait3A_240 : memref<1x512x64xf32, #tpu.memory_space<vmem>> -> memref<512x64xf32, #tpu.memory_space<vmem>>
    tpu.wait_dma2 semaphore(%dma_wait3A_234 : memref<!tpu.dma_semaphore, #tpu.memory_space<semaphore_mem>>) src(%dma_wait3A_241 : memref<512x64xf32, #tpu.memory_space<vmem>>) dst(%dma_wait3A_237 : memref<512x64xf32, #tpu.memory_space<hbm>>)
    return
  }
}

</mosaic_0001>

<sc_bundles>
// kernel: kernel.3.cloned.1.call-start
scs
__scs_entry_jumppad:
0x0: {  	(pc) =	sbr.rel $0x88, $3  }
0x1: {  	(tag) =	ssettag $0x0;
	lr =	simm.s32 $0x1  }
0x2: {  	[smem:$0x3F9F] =	sst lr;
	_ =	strace $0xD0000000  }
0x3: {  	_ = 	snop  }
0x4: {  	_ = 	snop  }
0x5: {  	_ = 	snop  }
0x6: {  	_ = 	snop  }
0x7: {  	_ = 	snop  }
__scs_overlays_trampoline_lowered:
0x8: {  	[smem:$0x3FAE] =	sst s0  }
0x9: {  	[smem:$0x3FAF] =	sst s1  }
0xa: {  	[smem:$0x3FB0] =	sst s2  }
0xb: {  	[smem:$0x3FB1] =	sst s3  }
0xc: {  	[smem:$0x3FB2] =	sst s4  }
0xd: {  	[smem:$0x3FB3] =	sst s5  }
0xe: {  	[smem:$0x3FB4] =	sst s6  }
0xf: {  	[smem:$0x3FB5] =	sst s7  }
0x10: {  	[smem:$0x3FB6] =	sst s8  }
0x11: {  	[smem:$0x3FB7] =	sst s9;
	s0 =	simm.s32 @!p0 $0x0  }
0x12: {  	s1 =	sld [smem:$0x3F9D];
	s0 =	simm.s32 @p0 $0x1  }
0x13: {  	[smem:$0x3FB8] =	sst s0;
	s0 =	simm.s32 @!p1 $0x0  }
0x14: {  	s2 =	sld [smem:$0x3F9C];
	s0 =	simm.s32 @p1 $0x1  }
0x15: {  	[smem:$0x3FB9] =	sst s0;
	s0 =	simm.s32 @!p2 $0x0  }
0x16: {  	s3 =	sld [smem:$0x3FDB];
	s0 =	simm.s32 @p2 $0x1  }
0x17: {  	s4 =	simm.s32 $0x1BF5;
	[smem:$0x3FBB] =	sst s0  }
0x18: {  	s0 =	sld [smem:$0x3F9E];
	_ =	swait.ge [sflag:s4], $0x0  }
0x19: {  	s7 =	sld [smem:$0x3F9F]  }
0x1a: {  	s8 =	sadd.s32 $0xFFFFE003, lr  }
0x1b: {  	s9 =	sadd.s32 $0xFFFFFEF7, lr;
	s5 =	simm.s32 $0xFFFFFFFF;
	p2 =	slt.u32 s8, $0xFFFFF086  }
0x1c: {  	p1 =	slt.u32 s9, $0xF7A;
	s5 =	simm.s32 @!p2 $0x0  }
0x1d: {  	s5 =	simm.s32 @p1 $0x1;
	p0 =	seq.s32 s7, s2  }
0x1e: {  	s7 =	smul.u32 @!p0 $0xF7A, s2;
	p2 =	seq.s32 @!p0 s5, $0x0  }
0x1f: {  	s9 =	smul.u32 $0xF7A, s1;
	s8 =	simm.s32 @!p0 $0x1BF5;
	p2 =	por !p2, p0  }
0x20: {  	[sflag:s8] =	ssyncset.s32 @!p0 $0xFFFFF086;
	s6 =	sadd.s32 @!p0 s3, s7;
	s7 =	simm.s32 @!p0 $0x108  }
0x21: {  	s3 =	sadd.s32 s3, s9;
	s6 =	sadd.s32 @!p0 $0x88, s6;
	s7 =	simm.s32 @p2 $0x1082  }
0x22: {  	[simem:s7], [sflag:s8] =	dma.local @!p0 [hbm:s6], $0xF7A  }
0x23: {  	s9 =	sor.u32 $0xD0000000, s2;
	s6 =	simm.s32 $0x108;
	_ =	swait.ge @!p0 [sflag:s8], $0x0  }
0x24: {  	s3 =	sadd.s32 $0x88, s3;
	s6 =	simm.s32 @!p1 $0x1082;
	[sflag:s4] =	ssyncset.s32 $0xFFFFF086  }
0x25: {  	[simem:s6], [sflag:s4] =	dma.local [hbm:s3], $0xF7A  }
0x26: {  	[smem:$0x3F9F] =	sst s1;
	(tag) =	ssettag s2;
	_ =	strace s9  }
0x27: {  	s1 =	sld [smem:$0x3FAF]  }
0x28: {  	s2 =	sld [smem:$0x3FB0]  }
0x29: {  	s4 =	sld [smem:$0x3FB2]  }
0x2a: {  	p0 =	seq.s32 s5, $0x0;
	s5 =	sld [smem:$0x3FB3]  }
0x2b: {  	s6 =	sld [smem:$0x3FB4]  }
0x2c: {  	s7 =	sld [smem:$0x3FB5]  }
0x2d: {  	s3 =	simm.s32 $0x108;
	s8 =	sld [smem:$0x3FB6]  }
0x2e: {  	s3 =	simm.s32 @!p0 $0x1082;
	s9 =	sld [smem:$0x3FB7]  }
0x2f: {  	lr =	sadd.s32 s0, s3;
	s0 =	sld [smem:$0x3FAE]  }
0x30: {  	s3 =	sld [smem:$0x3FB1]  }
0x31: {  	[smem:$0x3FBA] =	sst s10  }
0x32: {  	s10 =	sld [smem:$0x3FB8];
	_ =	sdelay $0x3  }
0x33: {  	p0 =	seq.s32 s10, $0x1;
	s10 =	sld [smem:$0x3FBA];
	_ =	sdelay $0x3  }
0x34: {  	[smem:$0x3FBA] =	sst s10  }
0x35: {  	s10 =	sld [smem:$0x3FB9];
	_ =	sdelay $0x3  }
0x36: {  	p1 =	seq.s32 s10, $0x1;
	s10 =	sld [smem:$0x3FBA];
	_ =	sdelay $0x3  }
0x37: {  	[smem:$0x3FBA] =	sst s10  }
0x38: {  	s10 =	sld [smem:$0x3FBB]  }
0x39: {  	_ = 	snop;
	(pc) =	sbr.ind lr, $3  }
0x3a: {  	_ = 	snop  }
0x3b: {  	_ = 	snop  }
0x3c: {  	p2 =	seq.s32 s10, $0x1;
	s10 =	sld [smem:$0x3FBA]  }
0x3d: {  	_ =	shalt  }
0x3e: {  	_ =	shalt  }
0x3f: {  	_ =	shalt  }
0x40: {  	_ =	shalt  }
0x41: {  	_ =	shalt  }
0x42: {  	_ =	shalt  }
0x43: {  	_ =	shalt  }
0x44: {  	_ =	shalt  }
0x45: {  	_ =	shalt  }
0x46: {  	_ =	shalt  }
0x47: {  	_ =	shalt  }
0x48: {  	_ =	shalt  }
0x49: {  	_ =	shalt  }
0x4a: {  	_ =	shalt  }
0x4b: {  	_ =	shalt  }
0x4c: {  	_ =	shalt  }
0x4d: {  	_ =	shalt  }
0x4e: {  	_ =	shalt  }
0x4f: {  	_ =	shalt  }
0x50: {  	_ =	shalt  }
0x51: {  	_ =	shalt  }
0x52: {  	_ =	shalt  }
0x53: {  	_ =	shalt  }
0x54: {  	_ =	shalt  }
0x55: {  	_ =	shalt  }
0x56: {  	_ =	shalt  }
0x57: {  	_ =	shalt  }
0x58: {  	_ =	shalt  }
0x59: {  	_ =	shalt  }
0x5a: {  	_ =	shalt  }
0x5b: {  	_ =	shalt  }
0x5c: {  	_ =	shalt  }
0x5d: {  	_ =	shalt  }
0x5e: {  	_ =	shalt  }
0x5f: {  	_ =	shalt  }
0x60: {  	_ =	shalt  }
0x61: {  	_ =	shalt  }
0x62: {  	_ =	shalt  }
0x63: {  	_ =	shalt  }
0x64: {  	_ =	shalt  }
0x65: {  	_ =	shalt  }
0x66: {  	_ =	shalt  }
0x67: {  	_ =	shalt  }
0x68: {  	_ =	shalt  }
0x69: {  	_ =	shalt  }
0x6a: {  	_ =	shalt  }
0x6b: {  	_ =	shalt  }
0x6c: {  	_ =	shalt  }
0x6d: {  	_ =	shalt  }
0x6e: {  	_ =	shalt  }
0x6f: {  	_ =	shalt  }
0x70: {  	_ =	shalt  }
0x71: {  	_ =	shalt  }
0x72: {  	_ =	shalt  }
0x73: {  	_ =	shalt  }
0x74: {  	_ =	shalt  }
0x75: {  	_ =	shalt  }
0x76: {  	_ =	shalt  }
0x77: {  	_ =	shalt  }
0x78: {  	_ =	shalt  }
0x79: {  	_ =	shalt  }
0x7a: {  	_ =	shalt  }
0x7b: {  	_ =	shalt  }
0x7c: {  	_ =	shalt  }
0x7d: {  	_ =	shalt  }
0x7e: {  	_ =	shalt  }
0x7f: {  	_ =	shalt  }
0x80: {  	_ =	shalt  }
0x81: {  	_ =	shalt  }
0x82: {  	_ =	shalt  }
0x83: {  	_ =	shalt  }
0x84: {  	_ =	shalt  }
0x85: {  	_ =	shalt  }
0x86: {  	_ =	shalt  }
0x87: {  	_ =	shalt  }
.Lfunc_end0:
.L_simem_size_0:
called_computation.1_lowered:
.L_overlay_start_0:
0x88: {  	s2 =	sld [smem:$0x3FD9]  }
0x89: {  	s3 =	sld [smem:$0x3FFE];
	_ =	sdelay $0x1  }
0x8a: {  	s1 =	srdreg.scid  }
0x8b: {  	s0 =	sand.u32 $0x1, s1  }
0x8c: {  	s17 =	sshll.u32 s0, $0xA;
	s2 =	sadd.s32 s3, s2  }
0x8d: {  	s2 =	sadd.s32 s2, s17  }
0x8e: {  	[smem:$0x3FC6] =	sst s2  }
0x8f: {  	_ = 	snop  }
0x90: {  	s2 =	sld [smem:$0x3FD0];
	(tm) =	ssettm $0x1  }
0x91: {  	s18 =	sld [smem:$0x3FFB];
	_ =	sdelay $0x3  }
0x92: {  	_ =	strace s18  }
0x93: {  	s3 =	sld [smem:$0x3FFC];
	_ =	sdelay $0x3  }
0x94: {  	_ =	strace s3  }
0x95: {  	s3 =	sld [smem:$0x3FFD];
	_ =	sdelay $0x3  }
0x96: {  	_ =	strace s3  }
0x97: {  	_ =	strace $0x8FFFFFFF  }
0x98: {  	s19 =	sld [smem:$0x3FDB];
	_ =	sdelay $0x1  }
0x99: {  	s4 =	simm.s32 $_scs_section_size  }
0x9a: {  	s5 =	simm.s32 $_size__tile_overlayer_lowered;
	s6 =	simm.s32 $_tile_overlayer_lowered  }
0x9b: {  	s22 =	simm.s32 $0x1BFF;
	s21 =	sshll.u32 s6, $0x1;
	s3 =	sadd.s32 s4, s19  }
0x9c: {  	s7 =	simm.s32 $0x0;
	s20 =	sshll.u32 s5, $0x1;
	s5 =	sadd.s32 s21, s3  }
0x9d: {  	[timem:s7], [sflag:s22] =	dma.local [hbm:s5], s20  }
0x9e: {  	_ =	swait.ge [sflag:s22], s20  }
0x9f: {  	s4 =	ssub.s32 $0x0, s20;
	[sflag:s22] =	ssyncset.done $0x0  }
0xa0: {  	[sflag:s22] =	ssyncadd.s32 s4;
	_ =	sdelay $0x1  }
0xa1: {  	s23 =	simm.s32 $0x1B8B  }
0xa2: {  	_ =	swait.ge [sflag:s23], $0x1  }
0xa3: {  	[sflag:s23] =	ssyncset.done $0x0  }
0xa4: {  	s25 =	simm.s32 $0x1B8E;
	s24 =	sld [smem:$0x3FFE];
	[sflag:s23] =	ssyncadd.s32 $0xFFFFFFFF  }
0xa5: {  	s26 =	simm.s32 $execute0_lowered;
	[smem:$0x3FD2] =	sst s25  }
0xa6: {  	s5 =	sshll.u32 s26, $0x1;
	_ =	strace $0x80000046;
	[dreg:$0x1] =	wrdreg $0xFFFFFFFF  }
0xa7: {  	s28 =	simm.s32 $_size_execute0_lowered;
	s3 =	sadd.s32 s3, s5;
	[dreg:$0x0] =	wrdreg $0x0  }
0xa8: {  	s5 =	sshll.u32 s28, $0x1;
	[dreg:$0x2] =	wrdreg s3  }
0xa9: {  	[dreg:$0x3] =	wrdreg s5  }
0xaa: {  	[dreg:$0x4] =	wrdreg $0xC0  }
0xab: {  	_ =	task [dreg:s7], $0x5FFFF  }
0xac: {  	[dreg:$0x1] =	wrdreg $0xFFFFFFFF  }
0xad: {  	[dreg:$0x0] =	wrdreg $0x60  }
0xae: {  	[dreg:$0x2] =	wrdreg s24  }
0xaf: {  	[dreg:$0x3] =	wrdreg s2  }
0xb0: {  	[dreg:$0x4] =	wrdreg $0x9  }
0xb1: {  	_ =	task.clear_ibuf [dreg:s7], $0x5FFFF;
	_ =	strace $0x90000046  }
0xb2: {  	s29 =	simm.s32 $0x9;
	_ =	strace $0x80000048  }
0xb3: {  	_ =	swait.ge [sflag:s29], $0x1  }
0xb4: {  	[sflag:s29] =	ssyncadd.s32 $0xFFFFFFFF  }
0xb5: {  	_ =	strace $0x90000048  }
0xb6: {  	_ =	sfence  }
0xb7: {  	s30 =	sld [smem:$0x0];
	_ =	sdelay $0x2  }
0xb8: {  	s31 =	sshll.u32 s1, $0xD;
	s1 =	sshrl.u32 s1, $0x2  }
0xb9: {  	s3 =	sand.u32 $0x4000, s31;
	s1 =	sadd.s32 s1, s30  }
0xba: {  	s0 =	sor.u32 s3, s0;
	s1 =	sshll.u32 s1, $0x11  }
0xbb: {  	s0 =	sor.u32 s1, s0  }
0xbc: {  	s0 =	sadd.s32 $0x8F2B, s0  }
0xbd: {  	[sflag:s0] =	ssyncadd.remote.s32 $0x1  }
0xbe: {  	_ =	sfence.sel $0xFFFF  }
0xbf: {  	[dreg:$0x0] =	wrdreg $0xFFFFFFFF;
	(pc) =	sbr.abs _section_cstart, $3  }
0xc0: {  	[dreg:$0x1] =	wrdreg $0xFFFFFFFF  }
0xc1: {  	_ =	task.clear_ibuf [dreg:s7], $0x2FFFF;
	_ =	strace $0x9FFFFFFF  }
0xc2: {  	(tm) =	ssettm $0x7FFFFFFF  }
0xc3: {  	_ =	shalt  }
tec
execute0_lowered:
.L_overlay_start_1:
0x0: {  	(tag) =	ssettag $0x1  }
0x1: {  	s0 =	srdreg.scid  }
0x2: {  	s11 =	stileid.u32;
	s3 =	rddreg [dreg:$0x0]  }
0x3: {  	s7 =	rddreg [dreg:$0x1];
	s2 =	simm.s32 $0x0;
	s18 =	simm.s32 $0x8800  }
0x4: {  	s19 =	simm.s32 $0x280;
	s20 =	simm.s32 $0xA800;
	s21 =	simm.s32 $0x300  }
0x5: {  	s22 =	simm.s32 $0xC800;
	s23 =	simm.s32 $0x380;
	s24 =	simm.s32 $0xE800  }
0x6: {  	s25 =	simm.s32 $0x400;
	s26 =	simm.s32 $0x4;
	s28 =	simm.s32 $0x5  }
0x7: {  	s29 =	simm.s32 $0x6;
	s30 =	simm.s32 $0x0;
	s5 =	smul.u32 $0xC800, s11  }
0x8: {  	s0 =	sand.u32 $0x1, s0;
	s1 =	sshll.u32 s11, $0x1;
	s11 =	smul.u32 $0x320000, s11  }
0x9: {  	[smem:$0x7FF] =	sst s2;
	s9 =	sadd.s32 $0xA00, s3;
	s8 =	smul.u32 $0x6400, s0  }
0xa: {  	s1 =	sor.u32 s0, s1;
	s6 =	ssub.s32 $0x2, s0;
	s0 =	smul.u32 $0x190000, s0  }
0xb: {  	s3 =	sadd.s32 $0xF42E00, s3;
	s4 =	smul.u32 $0xC80, s1;
	s10 =	sshrl.u32 s6, $0x1  }
0xc: {  	_ =	strace $0x80000047;
	s1 =	smul.u32 $0x6400, s1;
	s6 =	ssub.s32 s6, s10  }
.Ltmp0:
0xd: {  	s5 =	sadd.s32 s8, s5;
	s0 =	sadd.s32 s0, s11;
	(pc) =	sbr.rel .LBB2_1-.Ltmp0, $4  }
0xe: {  	s10 =	simm.s32 $0x80;
	s4 =	sadd.s32 s9, s4;
	s1 =	sshrl.u32 s1, $0x3  }
0xf: {  	s8 =	sadd.s32 $0x600, s5;
	s0 =	sshrl.u32 s0, $0x3;
	s1 =	sadd.s32 s9, s1  }
0x10: {  	s6 =	smax.u32 s6, $0x1;
	s31 =	sshrl.u32 s8, $0x3;
	s5 =	sadd.s32 $0x80, s1  }
0x11: {  	s11 =	sadd.s32 s31, s9;
	s1 =	sadd.s32 s0, s7;
	s9 =	simm.s32 $0x7  }
.LBB2_5:
0x12: {  	_ =	swait.ge [sflag:s26], $0x8000  }
0x13: {  	[sflag:s26] =	ssyncset.done $0x0  }
0x14: {  	s30 =	sadd.s32 $0x1, s30;
	[sflag:s26] =	ssyncadd.s32 $0xFFFF8000  }
0x15: {  	p0 =	sne.s32 s30, s6;
	_ =	swait.ge [sflag:s28], $0x8000  }
.Ltmp1:
0x16: {  	[sflag:s28] =	ssyncset.done $0x0;
	(pc) =	sbr.rel @!p0 .LBB2_6-.Ltmp1, $4  }
0x17: {  	[sflag:s28] =	ssyncadd.s32 $0xFFFF8000  }
0x18: {  	_ =	swait.ge [sflag:s29], $0x8000  }
0x19: {  	[sflag:s29] =	ssyncset.done $0x0  }
0x1a: {  	[sflag:s29] =	ssyncadd.s32 $0xFFFF8000  }
.LBB2_1:
0x1b: {  	[tilespmem:s2], [sflag:$0x7] =	stream.linear.gather [hbm4b:s4+s2], $0x400, $0x38;
	[tilespmem:$0x18800] =	vst v63  }
0x1c: {  	_ =	swait.ge [sflag:s9], $0x400  }
0x1d: {  	[sflag:s9] =	ssyncset.done $0x0  }
0x1e: {  	s0 =	simm.s32 $0x800;
	[sflag:s9] =	ssyncadd.s32 $0xFFFFFC00  }
0x1f: {  	[tilespmem:s0], [sflag:$0x1] =	stream.indirect.gather [hbm4b:s3+s10], $0x40, s2, s10, $0xb8;
	[tilespmem:$0x18800] =	vst v63  }
0x20: {  	s13 =	simm.s32 $0x2800  }
0x21: {  	[tilespmem:s13], [sflag:$0x1] =	stream.indirect.gather [hbm4b:s3+s10], $0x40, s10, s10, $0xb8;
	[tilespmem:$0x18800] =	vst v63  }
0x22: {  	s14 =	simm.s32 $0x100;
	s7 =	simm.s32 $0x4800  }
0x23: {  	[tilespmem:s7], [sflag:$0x1] =	stream.indirect.gather [hbm4b:s3+s10], $0x40, s14, s10, $0xb8;
	[tilespmem:$0x18800] =	vst v63  }
0x24: {  	s15 =	simm.s32 $0x180;
	s16 =	simm.s32 $0x6800  }
0x25: {  	[tilespmem:s16], [sflag:$0x1] =	stream.indirect.gather [hbm4b:s3+s10], $0x40, s15, s10, $0xb8;
	[tilespmem:$0x18800] =	vst v63  }
0x26: {  	s17 =	simm.s32 $0x200  }
0x27: {  	[tilespmem:s18], [sflag:$0x2] =	stream.indirect.gather [hbm4b:s3+s10], $0x40, s17, s10, $0xb8;
	[tilespmem:$0x18800] =	vst v63  }
0x28: {  	_ = 	snop  }
0x29: {  	[tilespmem:s20], [sflag:$0x2] =	stream.indirect.gather [hbm4b:s3+s10], $0x40, s19, s10, $0xb8;
	[tilespmem:$0x18800] =	vst v63  }
0x2a: {  	_ = 	snop  }
0x2b: {  	[tilespmem:s22], [sflag:$0x2] =	stream.indirect.gather [hbm4b:s3+s10], $0x40, s21, s10, $0xb8;
	[tilespmem:$0x18800] =	vst v63  }
.Ltmp2:
0x2c: {  	_ = 	snop;
	(pc) =	sbr.rel .LBB2_2-.Ltmp2, $4  }
0x2d: {  	s31 =	simm.s32 $0x3  }
0x2e: {  	[tilespmem:s24], [sflag:$0x2] =	stream.indirect.gather [hbm4b:s3+s10], $0x40, s23, s10, $0xb8;
	[tilespmem:$0x18800] =	vst v63  }
0x2f: {  	s8 =	smov.u32 s1;
	s0 =	simm.s32 $0x0;
	s7 =	smov.u32 s11  }
0x30: {  	[tilespmem:s25], [sflag:$0x8] =	stream.linear.gather [hbm4b:s5+s2], $0x400, $0x38;
	[tilespmem:$0x18800] =	vst v63  }
.LBB2_4:
0x31: {  	s31 =	sadd.s32 $0x1, s31  }
0x32: {  	p0 =	sne.s32 s31, $0x35  }
.Ltmp3:
0x33: {  	_ = 	snop;
	(pc) =	sbr.rel @!p0 .LBB2_5-.Ltmp3, $4  }
0x34: {  	s13 =	sshll.u32 s12, $0xF  }
0x35: {  	s17 =	sadd.s32 $0x4, s12;
	s13 =	sor.u32 $0x800, s13  }
0x36: {  	[hbm4b:s8+s2] =	stream.linear.scatter [tilespmem:s13], [sflag:s17], $0x8000, $0x38;
	[tilespmem:$0x18800] =	vst v63  }
0x37: {  	s7 =	sadd.s32 $0x40, s7;
	s0 =	sadd.s32 $0x200, s0;
	s8 =	sadd.s32 $0x1000, s8  }
.LBB2_2:
0x38: {  	s13 =	sadd.s32 $0xFFFFFFFD, s31  }
0x39: {  	s12 =	smul.u32 $0xAB, s13;
	_ =	sdelay $0x1  }
0x3a: {  	s12 =	sshrl.u32 s12, $0x9  }
0x3b: {  	s12 =	sand.u32 $0x7F, s12  }
0x3c: {  	s12 =	smul.u32 $0x3, s12;
	_ =	sdelay $0x1  }
0x3d: {  	s12 =	ssub.s32 s13, s12  }
0x3e: {  	s12 =	sand.u32 $0xFF, s12  }
0x3f: {  	s14 =	sadd.s32 $0x1, s12  }
0x40: {  	_ =	swait.ge [sflag:s14], $0x2000  }
0x41: {  	[sflag:s14] =	ssyncset.done $0x0  }
0x42: {  	[sflag:s14] =	ssyncadd.s32 $0xFFFFE000  }
0x43: {  	_ =	swait.ge [sflag:s14], $0x2000  }
0x44: {  	[sflag:s14] =	ssyncset.done $0x0  }
0x45: {  	[sflag:s14] =	ssyncadd.s32 $0xFFFFE000  }
0x46: {  	p0 =	sgt.u32 s13, $0x2F;
	_ =	swait.ge [sflag:s14], $0x2000  }
.Ltmp4:
0x47: {  	[sflag:s14] =	ssyncset.done $0x0;
	(pc) =	sbr.rel @p0 .LBB2_4-.Ltmp4, $4  }
0x48: {  	[sflag:s14] =	ssyncadd.s32 $0xFFFFE000  }
0x49: {  	_ =	swait.ge [sflag:s14], $0x2000  }
0x4a: {  	[sflag:s14] =	ssyncset.done $0x0  }
0x4b: {  	[sflag:s14] =	ssyncadd.s32 $0xFFFFE000  }
0x4c: {  	s15 =	sadd.s32 $0xFFFFFFFF, s31  }
0x4d: {  	s14 =	sand.u32 $0x1, s13;
	s16 =	sand.u32 $0xFF, s15  }
0x4e: {  	p0 =	seq.s32 s14, $0x1;
	s16 =	smul.u32 $0xAB, s16  }
0x4f: {  	s13 =	sxor.u32 @!p0 $0xFFFFFFFF, s13  }
0x50: {  	s13 =	sshrl.u32 @!p0 s13, $0x1;
	s16 =	sshrl.u32 s16, $0x9  }
0x51: {  	s13 =	sand.u32 @!p0 $0x1, s13;
	s16 =	smul.u32 $0x3, s16  }
0x52: {  	s17 =	sadd.s32 @!p0 $0x7, s13  }
0x53: {  	p1 =	seq.s32 @!p0 s31, $0x3;
	_ =	swait.ge @!p0 [sflag:s17], $0x400;
	s16 =	ssub.s32 s15, s16  }
0x54: {  	p1 =	por p0, !p1;
	[sflag:s17] =	ssyncset.done @!p0 $0x0;
	s13 =	sand.u32 $0xFF, s16  }
0x55: {  	[sflag:s17] =	ssyncadd.s32 @!p0 $0xFFFFFC00;
	s15 =	sadd.s32 @p1 $0x4, s13  }
0x56: {  	_ =	swait.ge @p1 [sflag:s15], $0x8000  }
0x57: {  	s14 =	sshll.u32 s14, $0x9;
	s17 =	sxor.u32 $0xFFFFFFFF, s0;
	[sflag:s15] =	ssyncset.done @p1 $0x0  }
0x58: {  	s16 =	sshll.u32 s13, $0xF;
	[sflag:s15] =	ssyncadd.s32 @p1 $0xFFFF8000;
	s15 =	sand.u32 $0x400, s17  }
0x59: {  	s13 =	sadd.s32 $0x1, s13;
	s17 =	sor.u32 $0x800, s16;
	s14 =	sor.u32 s14, s15  }
0x5a: {  	[tilespmem:s17], [sflag:s13] =	stream.indirect.gather [hbm4b:s3+s10], $0x40, s14, s10, $0xb8;
	[tilespmem:$0x18800] =	vst v63  }
0x5b: {  	s15 =	sor.u32 $0x2800, s16;
	s17 =	sor.u32 $0x80, s14  }
0x5c: {  	[tilespmem:s15], [sflag:s13] =	stream.indirect.gather [hbm4b:s3+s10], $0x40, s17, s10, $0xb8;
	[tilespmem:$0x18800] =	vst v63  }
0x5d: {  	s15 =	sor.u32 $0x4800, s16;
	s17 =	sor.u32 $0x100, s14  }
0x5e: {  	[tilespmem:s15], [sflag:s13] =	stream.indirect.gather [hbm4b:s3+s10], $0x40, s17, s10, $0xb8;
	[tilespmem:$0x18800] =	vst v63  }
0x5f: {  	p6 =	seq.s32 s31, $0x32;
	s14 =	sor.u32 $0x180, s14;
	s17 =	sor.u32 $0x6800, s16  }
0x60: {  	[tilespmem:s17], [sflag:s13] =	stream.indirect.gather [hbm4b:s3+s10], $0x40, s14, s10, $0xb8;
	[tilespmem:$0x18800] =	vst v63  }
.Ltmp5:
0x61: {  	p0 =	por !p0, p6;
	(pc) =	sbr.rel .LBB2_4-.Ltmp5, $4  }
0x62: {  	s13 =	sshrl.u32 @!p0 s31, $0x1  }
0x63: {  	s13 =	sand.u32 @!p0 $0x1, s13  }
0x64: {  	s15 =	simm.s32 @!p0 $0x0;
	s14 =	sshll.u32 @!p0 s13, $0xA;
	s13 =	sadd.s32 @!p0 $0x7, s13  }
0x65: {  	[tilespmem:s14], [sflag:s13] =	stream.linear.gather @!p0 [hbm4b:s7+s15], $0x400, $0x38;
	[tilespmem:$0x18800] =	vst v63  }
.LBB2_6:
0x66: {  	_ =	sfence.sel $0x180000  }
0x67: {  	[bflag:$0x0] =	sbarrier.arrive $0xFFFF  }
0x68: {  	_ =	strace $0x90000047  }
0x69: {  	s0 =	stileid.u32;
	[bflag:$0x2] =	sbarrier.arrive $0xFFFF  }
0x6a: {  	p0 =	sne.s32 s0, $0x0;
	s0 =	rddreg [dreg:$0x2]  }
0x6b: {  	s0 =	sadd.s32 @!p0 $0x100000, s0  }
0x6c: {  	[sflag:s0] =	ssyncadd.tile.s32 @!p0 $0x1;
	_ =	shalt  }
.Lfunc_end2:
_tile_overlayer_lowered:
.L_overlay_start_2:
0x6d: {  	(tag) =	ssettag $0x2  }
0x6e: {  	s0 =	rddreg [dreg:$0x0];
	s2 =	stileid.u32  }
0x6f: {  	s1 =	rddreg [dreg:$0x1];
	p0 =	sne.s32 s2, $0x0  }
0x70: {  	s3 =	rddreg [dreg:$0x2];
	[bflag:$0x3] =	sbarrier.arrive $0xFFFF;
	s2 =	simm.s32 @!p0 $0x1C09  }
0x71: {  	[timem:s3], [sflag:s2] =	dma.local @!p0 [hbm:s0], s1  }
0x72: {  	s0 =	simm.s32 @!p0 $0x9  }
0x73: {  	_ =	swait.ge @!p0 [sflag:s0], s1  }
0x74: {  	s1 =	ssub.s32 @!p0 $0x0, s1;
	[sflag:s0] =	ssyncset.done @!p0 $0x0  }
0x75: {  	[sflag:s0] =	ssyncadd.s32 @!p0 s1  }
0x76: {  	[bflag:$0x3] =	sbarrier.arrive $0xFFFF  }
0x77: {  	_ =	shalt  }

// kernel: sparse-core-data-format-call.cloned.1.call-start
scs
called_computation_lowered:
.L_overlay_start_0:
0x0: {  	s2 =	sld [smem:$0x3FD9]  }
0x1: {  	s3 =	sld [smem:$0x3FFE];
	_ =	sdelay $0x1  }
0x2: {  	s1 =	srdreg.scid  }
0x3: {  	s0 =	sand.u32 $0x1, s1  }
0x4: {  	s18 =	sshll.u32 s0, $0xA;
	s2 =	sadd.s32 s3, s2  }
0x5: {  	s2 =	sadd.s32 s2, s18  }
0x6: {  	[smem:$0x3FC6] =	sst s2  }
0x7: {  	_ = 	snop  }
0x8: {  	s2 =	sld [smem:$0x3FD0];
	(tm) =	ssettm $0x1  }
0x9: {  	s19 =	sld [smem:$0x3FFB];
	_ =	sdelay $0x3  }
0xa: {  	_ =	strace s19  }
0xb: {  	s3 =	sld [smem:$0x3FFC];
	_ =	sdelay $0x3  }
0xc: {  	_ =	strace s3  }
0xd: {  	s3 =	sld [smem:$0x3FFD];
	_ =	sdelay $0x3  }
0xe: {  	_ =	strace s3  }
0xf: {  	_ =	strace $0x8FFFFFFF  }
0x10: {  	s20 =	sld [smem:$0x3FDB];
	_ =	sdelay $0x1  }
0x11: {  	s4 =	simm.s32 $_scs_section_size  }
0x12: {  	s5 =	simm.s32 $_size__tile_overlayer_lowered;
	s6 =	simm.s32 $_tile_overlayer_lowered  }
0x13: {  	s23 =	simm.s32 $0x1BFF;
	s22 =	sshll.u32 s6, $0x1;
	s3 =	sadd.s32 s4, s20  }
0x14: {  	s7 =	simm.s32 $0x0;
	s21 =	sshll.u32 s5, $0x1;
	s5 =	sadd.s32 s22, s3  }
0x15: {  	[timem:s7], [sflag:s23] =	dma.local [hbm:s5], s21  }
0x16: {  	_ =	swait.ge [sflag:s23], s21  }
0x17: {  	s4 =	ssub.s32 $0x0, s21;
	[sflag:s23] =	ssyncset.done $0x0  }
0x18: {  	[sflag:s23] =	ssyncadd.s32 s4;
	_ =	sdelay $0x1  }
0x19: {  	s24 =	simm.s32 $0x1B8B  }
0x1a: {  	_ =	swait.ge [sflag:s24], $0x1  }
0x1b: {  	[sflag:s24] =	ssyncset.done $0x0  }
0x1c: {  	s26 =	simm.s32 $0x1B8E;
	s25 =	sld [smem:$0x3FFE];
	[sflag:s24] =	ssyncadd.s32 $0xFFFFFFFF  }
0x1d: {  	s27 =	simm.s32 $execute0_lowered;
	[smem:$0x3FD2] =	sst s26  }
0x1e: {  	s5 =	sshll.u32 s27, $0x1;
	_ =	strace $0x80000049;
	[dreg:$0x1] =	wrdreg $0xFFFFFFFF  }
0x1f: {  	s28 =	simm.s32 $_size_execute0_lowered;
	s3 =	sadd.s32 s3, s5;
	[dreg:$0x0] =	wrdreg $0x0  }
0x20: {  	s5 =	sshll.u32 s28, $0x1;
	[dreg:$0x2] =	wrdreg s3  }
0x21: {  	[dreg:$0x3] =	wrdreg s5  }
0x22: {  	[dreg:$0x4] =	wrdreg $0xC0  }
0x23: {  	_ =	task [dreg:s7], $0x5FFFF  }
0x24: {  	[dreg:$0x1] =	wrdreg $0xFFFFFFFF  }
0x25: {  	[dreg:$0x0] =	wrdreg $0x60  }
0x26: {  	[dreg:$0x2] =	wrdreg s25  }
0x27: {  	[dreg:$0x3] =	wrdreg s2  }
0x28: {  	[dreg:$0x4] =	wrdreg $0x9  }
0x29: {  	_ =	task.clear_ibuf [dreg:s7], $0x5FFFF;
	_ =	strace $0x90000049  }
0x2a: {  	s29 =	simm.s32 $0x9;
	_ =	strace $0x8000004B  }
0x2b: {  	_ =	swait.ge [sflag:s29], $0x1  }
0x2c: {  	[sflag:s29] =	ssyncadd.s32 $0xFFFFFFFF  }
0x2d: {  	_ =	strace $0x9000004B  }
0x2e: {  	_ =	sfence  }
0x2f: {  	s30 =	sld [smem:$0x0];
	_ =	sdelay $0x2  }
0x30: {  	s31 =	sshll.u32 s1, $0xD;
	s1 =	sshrl.u32 s1, $0x2  }
0x31: {  	s3 =	sand.u32 $0x4000, s31;
	s1 =	sadd.s32 s1, s30  }
0x32: {  	s0 =	sor.u32 s3, s0;
	s1 =	sshll.u32 s1, $0x11  }
0x33: {  	s0 =	sor.u32 s1, s0  }
0x34: {  	s0 =	sadd.s32 $0x8F2B, s0  }
0x35: {  	[sflag:s0] =	ssyncadd.remote.s32 $0x1  }
0x36: {  	_ =	sfence.sel $0xFFFF  }
0x37: {  	[dreg:$0x0] =	wrdreg $0xFFFFFFFF;
	(pc) =	sbr.abs _section_cstart, $3  }
0x38: {  	[dreg:$0x1] =	wrdreg $0xFFFFFFFF  }
0x39: {  	_ =	task.clear_ibuf [dreg:s7], $0x2FFFF;
	_ =	strace $0x9FFFFFFF  }
0x3a: {  	(tm) =	ssettm $0x7FFFFFFF  }
0x3b: {  	_ =	shalt  }
tec
execute0_lowered:
.L_overlay_start_1:
0x0: {  	(tag) =	ssettag $0x1  }
0x1: {  	s0 =	srdreg.scid  }
0x2: {  	s1 =	sshll.u32 s0, $0x4  }
0x3: {  	s0 =	stileid.u32;
	s1 =	sand.u32 $0x10, s1  }
0x4: {  	s1 =	sor.u32 s0, s1  }
0x5: {  	s6 =	rddreg [dreg:$0x0];
	s4 =	simm.s32 $0x1;
	s2 =	sshll.u32 s1, $0x7  }
0x6: {  	s7 =	simm.s32 $0x2;
	s12 =	simm.s32 $0x0;
	s1 =	ssub.s32 $0x1000, s2  }
0x7: {  	s8 =	simm.s32 $0x8000;
	s13 =	simm.s32 $0x0;
	s3 =	sand.u32 $0xF80, s1  }
0x8: {  	s9 =	simm.s32 $0x0;
	s5 =	sshrl.u32 s1, $0xC;
	p0 =	sne.s32 s3, $0x0  }
.Ltmp0:
0x9: {  	s1 =	rddreg [dreg:$0x2];
	s4 =	simm.s32 @!p0 $0x0;
	(pc) =	sbr.rel .LBB1_1-.Ltmp0, $4  }
0xa: {  	s11 =	simm.s32 $0x0;
	s3 =	rddreg [dreg:$0x1];
	s5 =	sadd.s32 s4, s5  }
0xb: {  	_ =	strace $0x8000004A;
	s4 =	simm.s32 $0x1;
	s5 =	smul.u32 $0xC8, s5  }
0xc: {  	s6 =	sadd.s32 $0xA00, s6;
	s10 =	smov.u32 s2;
	[sflag:s4] =	ssyncpa.u1 $0x0  }
0xd: {  	p0 =	por $0x0, $0x0;
	[sflag:s7] =	ssyncpa.u1 $0x0;
	s7 =	sor.u32 $0x1, s5  }
.LBB1_4:
0xe: {  	s16 =	sshll.u32 s13, $0x3;
	s17 =	sand.u32 $0x78, s13  }
0xf: {  	s30 =	sand.u32 $0x7E00, s13;
	s12 =	sshll.u32 s12, $0xF;
	s16 =	sand.u32 $0xC00, s16  }
0x10: {  	[tilespmem:s15+$0x810 ss:$0x81] =	vst.msk $0xffff, v2;
	s31 =	sand.u32 $0x7, s13;
	s16 =	sor.u32 s17, s16;
	s17 =	sadd.s32 s3, s30  }
0x11: {  	[tilespmem:s15+$0x1020 ss:$0x81] =	vst.msk $0xffff, v0;
	s13 =	sshll.u32 s31, $0x12;
	s12 =	sadd.s32 s12, s17;
	s16 =	sshrl.u32 s16, $0x3  }
0x12: {  	[tilespmem:s15+$0x0 ss:$0x81] =	vst.msk $0xffff, v1;
	s13 =	sor.u32 $0x400, s13;
	s12 =	sadd.s32 s16, s12  }
0x13: {  	[hbm4b:s12+s13] =	stream.strided.scatter [tilespmem:s14], [sflag:$0x2], $0x2000, s8, s13, $0x20;
	[tilespmem:$0x8080] =	vst v63  }
.LBB1_5:
0x14: {  	s14 =	sadd.s32 $0x1, s9  }
0x15: {  	s12 =	sadd.s32 $0x1000, s10;
	s16 =	smov.u32 s10;
	p2 =	sgt.s32 s14, $0xC7  }
0x16: {  	s16 =	smov.u32 @p2 s12  }
0x17: {  	s14 =	simm.s32 @p2 $0x0;
	p2 =	sgt.s32 s16, $0xFFF  }
0x18: {  	s16 =	smov.u32 @p2 s2;
	p2 =	sne.s32 s11, s7  }
.Ltmp1:
0x19: {  	p1 =	slt.u32 s11, $0x2;
	(pc) =	sbr.rel @!p2 .LBB1_6-.Ltmp1, $4  }
0x1a: {  	s15 =	simm.s32 @!p1 $0x2  }
0x1b: {  	s13 =	smov.u32 s10;
	p0 =	por !p0, !p0;
	_ =	swait.ge @!p1 [sflag:s15], $0x2000  }
0x1c: {  	s12 =	smov.u32 s9;
	[sflag:s15] =	ssyncset.done @!p1 $0x0;
	s9 =	smov.u32 s14  }
0x1d: {  	s11 =	sadd.s32 $0x1, s11;
	[sflag:s15] =	ssyncadd.s32 @!p1 $0xFFFFE000;
	s10 =	smov.u32 s16  }
.LBB1_1:
0x1e: {  	p1 =	sge.u32 s11, s5  }
0x1f: {  	s14 =	sand.u32 @!p1 $0x1FFFFFF, s9  }
0x20: {  	s15 =	smulhi.u32 @!p1 $0x147AE15, s14;
	_ =	sdelay $0x1  }
0x21: {  	s15 =	smul.u32 @!p1 $0xC8, s15  }
0x22: {  	s16 =	sxor.u32 @!p1 $0xFFFFFFFF, s11;
	s17 =	smul.u32 @!p1 $0xC80, s10  }
0x23: {  	s31 =	sadd.s32 $0xFFFFFFFF, s11;
	s16 =	sshll.u32 @!p1 s16, $0xD;
	s14 =	ssub.s32 @!p1 s14, s15  }
0x24: {  	s15 =	sand.u32 @!p1 $0x2000, s16;
	s16 =	sadd.s32 @!p1 s6, s17;
	s14 =	sshll.u32 @!p1 s14, $0x4  }
0x25: {  	s17 =	simm.s32 @!p1 $0x6400;
	s14 =	sadd.s32 @!p1 s14, s16;
	s16 =	simm.s32 @!p1 $0x40  }
0x26: {  	[tilespmem:s15], [sflag:$0x1] =	stream.strided.gather @!p1 [hbm4b:s14+s16], $0x2000, s17, s16, $0x38;
	[tilespmem:$0x8080] =	vst v63  }
0x27: {  	p1 =	sge.u32 s31, s5  }
.Ltmp2:
0x28: {  	_ = 	snop;
	(pc) =	sbr.rel @p1 .LBB1_5-.Ltmp2, $1  }
0x29: {  	_ =	sdelay $0x3  }
0x2a: {  	s14 =	simm.s32 $0x1  }
0x2b: {  	_ =	swait.ge [sflag:s4], $0x2000;
	s14 =	simm.s32 @!p0 $0x0  }
0x2c: {  	[sflag:s4] =	ssyncset.done $0x0;
	s15 =	sshll.u32 s14, $0xD  }
0x2d: {  	[sflag:s4] =	ssyncadd.s32 $0xFFFFE000;
	s18 =	sor.u32 $0x20, s15  }
0x2e: {  	s14 =	smul.u32 $0x8100, s14;
	v3 =	vld [tilespmem:s18+$0x10]  }
0x2f: {  	s30 =	sand.u32 $0x1, s11;
	v2 =	vld [tilespmem:s18+$0xFFFFFFF0]  }
0x30: {  	s15 =	smul.u32 $0x8100, s30;
	s14 =	sshrl.u32 s14, $0x2;
	v0 =	vld [tilespmem:s18+$0x0]  }
0x31: {  	v1 =	vld [tilespmem:s18+$0xFFFFFFE0];
	s16 =	sor.u32 $0x4000, s14  }
0x32: {  	s31 =	sshrl.u32 s15, $0x2;
	s15 =	sadd.s32 $0x0, s16  }
0x33: {  	s17 =	simm.s32 $0x4;
	s18 =	sadd.s32 $0x40, s18;
	s14 =	sor.u32 $0x4000, s31;
	[tilespmem:s15+$0x1830 ss:$0x81] =	vst.msk $0xffff, v3  }
.LBB1_3:
0x34: {  	v3 =	vld [tilespmem:s18+$0x10];
	p1 =	sne.s32 s17, $0x1FC;
	[tilespmem:s15+$0x810 ss:$0x81] =	vst.msk $0xffff, v2;
	s19 =	smov.u32 s17;
	s17 =	sadd.s32 $0x4, s17  }
.Ltmp3:
0x35: {  	v2 =	vld [tilespmem:s18+$0xFFFFFFF0];
	[tilespmem:s15+$0x1020 ss:$0x81] =	vst.msk $0xffff, v0;
	(pc) =	sbr.rel @p1 .LBB1_3-.Ltmp3, $4  }
0x36: {  	v0 =	vld [tilespmem:s18+$0x0];
	[tilespmem:s15+$0x0 ss:$0x81] =	vst.msk $0xffff, v1  }
0x37: {  	s15 =	sshra.s32 s19, $0x2;
	v1 =	vld [tilespmem:s18+$0xFFFFFFE0]  }
0x38: {  	s15 =	sadd.s32 s15, s16  }
0x39: {  	s18 =	sadd.s32 $0x40, s18;
	[tilespmem:s15+$0x1830 ss:$0x81] =	vst.msk $0xffff, v3  }
.Ltmp4:
0x3a: {  	_ = 	snop;
	(pc) =	sbr.rel .LBB1_4-.Ltmp4, $1  }
0x3b: {  	_ =	sdelay $0x3  }
.LBB1_6:
0x3c: {  	_ =	sfence.sel $0x180000  }
0x3d: {  	s2 =	simm.s32 $0x1;
	[bflag:$0x0] =	sbarrier.arrive $0xFFFF  }
0x3e: {  	s31 =	simm.s32 $0x2;
	[sflag:s2] =	ssyncpa.u1 $0x1  }
0x3f: {  	[sflag:s31] =	ssyncpa.u1 $0x1  }
0x40: {  	p0 =	sne.s32 s0, $0x0;
	_ =	strace $0x9000004A  }
0x41: {  	s0 =	sadd.s32 @!p0 $0x100000, s1;
	[bflag:$0x2] =	sbarrier.arrive $0xFFFF  }
0x42: {  	[sflag:s0] =	ssyncadd.tile.s32 @!p0 $0x1;
	_ =	shalt  }
.Lfunc_end1:
_tile_overlayer_lowered:
.L_overlay_start_2:
0x43: {  	(tag) =	ssettag $0x2  }
0x44: {  	s0 =	rddreg [dreg:$0x0];
	s2 =	stileid.u32  }
0x45: {  	s1 =	rddreg [dreg:$0x1];
	p0 =	sne.s32 s2, $0x0  }
0x46: {  	s3 =	rddreg [dreg:$0x2];
	[bflag:$0x3] =	sbarrier.arrive $0xFFFF;
	s2 =	simm.s32 @!p0 $0x1C01  }
0x47: {  	[timem:s3], [sflag:s2] =	dma.local @!p0 [hbm:s0], s1  }
0x48: {  	s0 =	simm.s32 @!p0 $0x1  }
0x49: {  	_ =	swait.ge @!p0 [sflag:s0], s1  }
0x4a: {  	s1 =	ssub.s32 @!p0 $0x0, s1;
	[sflag:s0] =	ssyncset.done @!p0 $0x0  }
0x4b: {  	[sflag:s0] =	ssyncadd.s32 @!p0 s1  }
0x4c: {  	[bflag:$0x3] =	sbarrier.arrive $0xFFFF  }
0x4d: {  	_ =	shalt  }

</sc_bundles>
